<compile_context>
chip_gen: v7x
topology: tpu7x:2x2x1
jax: 0.10.2.dev20260603
libtpu: 0.0.44.dev20260713+nightly
codegen_flags: <defaults>
</compile_context>

<pallas_src>
import functools

import jax
import jax.numpy as jnp
from jax import lax
from jax.experimental import pallas as pl
from jax.experimental.pallas import tpu as pltpu
from jax.experimental.pallas import tpu_sc as plsc

N = 10000
E = 320000
D_IN = 128
D_OUT = 16

NC = 2
NS = 16
NW = NC * NS
EPW = E // NW
CH = 80
NCHUNK = EPW // CH
NP = 10240
RPT = NP // NS

_MESH = plsc.VectorSubcoreMesh(core_axis_name="c", subcore_axis_name="s")



def _z_body(x_ref, wg_ref, wc_ref, z_ref):
    w2 = jnp.dot(wg_ref[...], wc_ref[...], preferred_element_type=jnp.float32)
    z_ref[...] = jnp.dot(x_ref[...], w2, preferred_element_type=jnp.float32)


def _compute_z(X, W_gcn, Wcat):
    return pl.pallas_call(
        _z_body,
        out_shape=jax.ShapeDtypeStruct((N, 64), jnp.float32),
    )(X, W_gcn, Wcat)


def _addp_body(pp_ref, p_ref):
    p_ref[...] = pp_ref[0] + pp_ref[1]


def _sum_partials(Ppart):
    return pl.pallas_call(
        _addp_body,
        out_shape=jax.ShapeDtypeStruct((NP, 64), jnp.float32),
    )(Ppart)


def _final_body(np_ref, gn_ref, out_ref):
    miu = np_ref[0, :N, 0:16] + np_ref[1, :N, 0:16]
    s = np_ref[0, :N, 16:32] + np_ref[1, :N, 16:32]
    out_ref[...] = gn_ref[...] * jnp.sqrt(s) + miu


def _final_combine(NodeP, gn):
    return pl.pallas_call(
        _final_body,
        out_shape=jax.ShapeDtypeStruct((N, D_OUT), jnp.float32),
    )(NodeP, gn)



def _spmm_body(z_hbm, row_hbm, col_hbm, val_hbm, out_hbm,
               row_v, col_v, val_v, rows_v, stripe_v, acc_sh, sem):
    cid = lax.axis_index("c")
    sid = lax.axis_index("s")
    wid = cid * NS + sid

    pltpu.sync_copy(row_hbm.at[wid], row_v)
    pltpu.sync_copy(col_hbm.at[wid], col_v)
    pltpu.sync_copy(val_hbm.at[wid], val_v)

    zero = jnp.zeros((16,), jnp.float32)

    def zbody(i, carry):
        for k in range(4):
            stripe_v[i, pl.ds(16 * k, 16)] = zero
        return carry

    lax.fori_loop(0, RPT, zbody, 0)
    pltpu.sync_copy(stripe_v, acc_sh.at[pl.ds(sid * RPT, RPT)])
    plsc.subcore_barrier()

    def chunk(j, carry):
        pltpu.async_copy(z_hbm.at[col_v.at[j]], rows_v, sem).wait()
        idxj = jnp.full((16,), j * CH, jnp.int32)

        def ebody(e, ecarry):
            vv = plsc.load_gather(val_v, [idxj + e])
            for k in range(4):
                sl = pl.ds(16 * k, 16)
                rows_v[e, sl] = rows_v[e, sl] * vv
            return ecarry

        lax.fori_loop(0, CH, ebody, 0)
        pltpu.sync_copy(rows_v, acc_sh.at[row_v.at[j]], add=True)
        return carry

    lax.fori_loop(0, NCHUNK, chunk, 0)
    plsc.subcore_barrier()

    pltpu.sync_copy(acc_sh.at[pl.ds(sid * RPT, RPT)], stripe_v)
    pltpu.sync_copy(stripe_v, out_hbm.at[cid, pl.ds(sid * RPT, RPT)])


_spmm_call = functools.partial(
    pl.kernel,
    out_type=jax.ShapeDtypeStruct((NC, NP, 64), jnp.float32),
    mesh=_MESH,
    compiler_params=pltpu.CompilerParams(needs_layout_passes=False, use_tc_tiling_on_sc=False),
    scratch_types=[
        pltpu.VMEM((NCHUNK, CH), jnp.int32),
        pltpu.VMEM((NCHUNK, CH), jnp.int32),
        pltpu.VMEM((EPW,), jnp.float32),
        pltpu.VMEM((CH, 64), jnp.float32),
        pltpu.VMEM((RPT, 64), jnp.float32),
        pltpu.VMEM_SHARED((NP, 64), jnp.float32),
        pltpu.SemaphoreType.DMA,
    ],
)(_spmm_body)



def _edge_body(p_hbm, src_hbm, dst_hbm, nin_hbm, nout_hbm,
               ein_hbm, eout_hbm,
               src_v, dst_v, bufs, bufd, nin_v, nout_v, obi, obo, sem):
    cid = lax.axis_index("c")
    sid = lax.axis_index("s")
    wid = cid * NS + sid

    pltpu.sync_copy(src_hbm.at[wid], src_v)
    pltpu.sync_copy(dst_hbm.at[wid], dst_v)
    base0 = wid * EPW

    def chunk(j, carry):
        cs = pltpu.async_copy(p_hbm.at[src_v.at[j]], bufs, sem)
        cd = pltpu.async_copy(p_hbm.at[dst_v.at[j]], bufd, sem)
        base = base0 + j * CH
        pltpu.sync_copy(nin_hbm.at[pl.ds(base, CH)], nin_v)
        pltpu.sync_copy(nout_hbm.at[pl.ds(base, CH)], nout_v)
        cs.wait()
        cd.wait()

        def ebody(e, ecarry):
            s0 = bufs[e, pl.ds(0, 16)]
            s1 = bufs[e, pl.ds(16, 16)]
            s2 = bufs[e, pl.ds(32, 16)]
            s3 = bufs[e, pl.ds(48, 16)]
            d0 = bufd[e, pl.ds(0, 16)]
            d1 = bufd[e, pl.ds(16, 16)]
            d2 = bufd[e, pl.ds(32, 16)]
            d3 = bufd[e, pl.ds(48, 16)]
            obi[e, :] = nin_v[e, :] * jnp.exp(s1 + d3) + (s0 + d2)
            obo[e, :] = nout_v[e, :] * jnp.exp(d1 + s3) + (d0 + s2)
            return ecarry

        lax.fori_loop(0, CH, ebody, 0)
        pltpu.sync_copy(obi, ein_hbm.at[pl.ds(base, CH)])
        pltpu.sync_copy(obo, eout_hbm.at[pl.ds(base, CH)])
        return carry

    lax.fori_loop(0, NCHUNK, chunk, 0)


_edge_call = functools.partial(
    pl.kernel,
    out_type=(
        jax.ShapeDtypeStruct((E, D_OUT), jnp.float32),
        jax.ShapeDtypeStruct((E, D_OUT), jnp.float32),
    ),
    mesh=_MESH,
    compiler_params=pltpu.CompilerParams(needs_layout_passes=False, use_tc_tiling_on_sc=False),
    scratch_types=[
        pltpu.VMEM((NCHUNK, CH), jnp.int32),
        pltpu.VMEM((NCHUNK, CH), jnp.int32),
        pltpu.VMEM((CH, 64), jnp.float32),
        pltpu.VMEM((CH, 64), jnp.float32),
        pltpu.VMEM((CH, D_OUT), jnp.float32),
        pltpu.VMEM((CH, D_OUT), jnp.float32),
        pltpu.VMEM((CH, D_OUT), jnp.float32),
        pltpu.VMEM((CH, D_OUT), jnp.float32),
        pltpu.SemaphoreType.DMA,
    ],
)(_edge_body)



def _node_body(p2_hbm, r2_hbm, c2_hbm, r_hbm, bv_hbm, out_hbm,
               r2_v, c2_v, r_v, bv_v, bufa, bufb, cbuf, stripe_v, acc_sh, sem):
    cid = lax.axis_index("c")
    sid = lax.axis_index("s")
    wid = cid * NS + sid

    pltpu.sync_copy(r2_hbm.at[wid], r2_v)
    pltpu.sync_copy(c2_hbm.at[wid], c2_v)
    pltpu.sync_copy(r_hbm.at[wid], r_v)
    pltpu.sync_copy(bv_hbm.at[wid], bv_v)

    zero = jnp.zeros((16,), jnp.float32)

    def zbody(i, carry):
        stripe_v[i, pl.ds(0, 16)] = zero
        stripe_v[i, pl.ds(16, 16)] = zero
        return carry

    lax.fori_loop(0, RPT, zbody, 0)
    pltpu.sync_copy(stripe_v, acc_sh.at[pl.ds(sid * RPT, RPT)])
    plsc.subcore_barrier()

    def chunk(j, carry):
        ca = pltpu.async_copy(p2_hbm.at[r2_v.at[j]], bufa, sem)
        cb = pltpu.async_copy(p2_hbm.at[c2_v.at[j]], bufb, sem)
        ca.wait()
        cb.wait()
        idxj = jnp.full((16,), j * CH, jnp.int32)

        def ebody(e, ecarry):
            vv = plsc.load_gather(bv_v, [idxj + e])
            bm = bufa[e, pl.ds(0, 16)] + bufb[e, pl.ds(0, 16)]
            bls = bufa[e, pl.ds(16, 16)] + bufb[e, pl.ds(16, 16)]
            cbuf[e, pl.ds(0, 16)] = vv * bm
            cbuf[e, pl.ds(16, 16)] = (vv * vv) * jnp.exp(bls)
            return ecarry

        lax.fori_loop(0, CH, ebody, 0)
        pltpu.sync_copy(cbuf, acc_sh.at[r_v.at[j]], add=True)
        return carry

    lax.fori_loop(0, NCHUNK, chunk, 0)
    plsc.subcore_barrier()

    pltpu.sync_copy(acc_sh.at[pl.ds(sid * RPT, RPT)], stripe_v)
    pltpu.sync_copy(stripe_v, out_hbm.at[cid, pl.ds(sid * RPT, RPT)])


_node_call = functools.partial(
    pl.kernel,
    out_type=jax.ShapeDtypeStruct((NC, NP, 32), jnp.float32),
    mesh=_MESH,
    compiler_params=pltpu.CompilerParams(needs_layout_passes=False, use_tc_tiling_on_sc=False),
    scratch_types=[
        pltpu.VMEM((NCHUNK, CH), jnp.int32),
        pltpu.VMEM((NCHUNK, CH), jnp.int32),
        pltpu.VMEM((NCHUNK, CH), jnp.int32),
        pltpu.VMEM((EPW,), jnp.float32),
        pltpu.VMEM((CH, 32), jnp.float32),
        pltpu.VMEM((CH, 32), jnp.float32),
        pltpu.VMEM((CH, 32), jnp.float32),
        pltpu.VMEM((RPT, 32), jnp.float32),
        pltpu.VMEM_SHARED((NP, 32), jnp.float32),
        pltpu.SemaphoreType.DMA,
    ],
)(_node_body)



@jax.jit
def kernel(X, W_gcn, W_miu, W_sigma, gcn_values, bi_values,
           gcn_edges, di_edge, bi_edge):
    nkey = jax.random.key(42)
    n_in = jax.random.normal(jax.random.fold_in(nkey, 0), (E, D_OUT),
                             dtype=jnp.float32)
    n_out = jax.random.normal(jax.random.fold_in(nkey, 1), (E, D_OUT),
                              dtype=jnp.float32)
    gn = jax.random.normal(jax.random.fold_in(nkey, 2), (N, D_OUT),
                           dtype=jnp.float32)

    Wcat = jnp.concatenate(
        [W_miu[:D_IN], W_sigma[:D_IN], W_miu[D_IN:], W_sigma[D_IN:]], axis=1)
    Z = _compute_z(X, W_gcn, Wcat)

    i32 = jnp.int32
    row = gcn_edges[0].astype(i32).reshape(NW, NCHUNK, CH)
    col = gcn_edges[1].astype(i32).reshape(NW, NCHUNK, CH)
    gval = gcn_values.reshape(NW, EPW)
    Ppart = _spmm_call(Z, row, col, gval)
    P = _sum_partials(Ppart)

    src = di_edge[0].astype(i32).reshape(NW, NCHUNK, CH)
    dst = di_edge[1].astype(i32).reshape(NW, NCHUNK, CH)
    edge_in, edge_out = _edge_call(P, src, dst, n_in, n_out)

    P2 = P.reshape(2 * NP, 32)
    r = bi_edge[0].astype(i32)
    c = bi_edge[1].astype(i32)
    r2 = (r * 2).reshape(NW, NCHUNK, CH)
    c2 = (c * 2 + 1).reshape(NW, NCHUNK, CH)
    rr = r.reshape(NW, NCHUNK, CH)
    bv = bi_values.reshape(NW, EPW)
    NodeP = _node_call(P2, r2, c2, rr, bv)

    node_embed = _final_combine(NodeP, gn)
    return (node_embed, edge_in, edge_out)

# --- scband reference (transcript-rebuilt; emitter-appended) ---
"""Pipeline reference for scband-encoder-56556129354623 (READ-ONLY COPY).

The authoritative reference and input builder live on the scoring server;
editing this copy changes nothing except your own understanding.
"""

import jax, jax.numpy as jnp
import numpy as np

N = 10000
E = 320000
D_IN = 128
D_HID = 128
D_OUT = 16

def setup_inputs(seed: int = 0):
    key = jax.random.key(seed)
    ks = jax.random.split(key, 10)
    X = jax.random.normal(ks[0], (N, D_IN), dtype=jnp.float32)
    gcn_edges = jax.random.randint(ks[1], (2, E), 0, N)
    gcn_values = jax.random.uniform(ks[2], (E,), minval=0.0, maxval=2.0 / 32.0, dtype=jnp.float32)
    di_edge = jax.random.randint(ks[3], (2, E), 0, N)
    bi_row = jnp.concatenate([jnp.arange(N, dtype=jnp.int32), jax.random.randint(ks[4], (E - N,), 0, N)])
    bi_col = jax.random.randint(ks[5], (E,), 0, N)
    bi_edge = jnp.stack([bi_row, bi_col])
    bi_values = jax.random.uniform(ks[6], (E,), minval=0.01, maxval=2.0 / 32.0, dtype=jnp.float32)
    r = np.sqrt(6.0 / (D_IN + D_HID))
    W_gcn = jax.random.uniform(ks[7], (D_IN, D_HID), minval=-r, maxval=r, dtype=jnp.float32)
    std = np.sqrt(2.0 / (2 * D_HID + D_OUT)) * 1.414
    W_miu = jax.random.normal(ks[8], (2 * D_HID, D_OUT), dtype=jnp.float32) * std
    W_sigma = jax.random.normal(ks[9], (2 * D_HID, D_OUT), dtype=jnp.float32) * 0.02
    return {"X": X, "W_gcn": W_gcn, "W_miu": W_miu, "W_sigma": W_sigma, "gcn_values": gcn_values, "bi_values": bi_values, "gcn_edges": gcn_edges, "di_edge": di_edge, "bi_edge": bi_edge}

def reference(X, W_gcn, W_miu, W_sigma, gcn_values, bi_values, gcn_edges, di_edge, bi_edge):
    nkey = jax.random.key(42)
    # base GCN layer (activation = identity): h = A @ (X @ W_gcn)
    xw = X @ W_gcn
    h = jax.ops.segment_sum(gcn_values[:, None] * jnp.take(xw, gcn_edges[1], axis=0), gcn_edges[0], num_segments=N)
    # edge embedding on directed edges
    h_src = jnp.take(h, di_edge[0], axis=0)
    h_dst = jnp.take(h, di_edge[1], axis=0)
    e_in = jnp.concatenate([h_src, h_dst], axis=1)
    e_out = jnp.concatenate([h_dst, h_src], axis=1)
    miu_in = e_in @ W_miu
    miu_out = e_out @ W_miu
    ls_in = e_in @ W_sigma
    ls_out = e_out @ W_sigma
    n_in = jax.random.normal(jax.random.fold_in(nkey, 0), (E, D_OUT), dtype=jnp.float32)
    n_out = jax.random.normal(jax.random.fold_in(nkey, 1), (E, D_OUT), dtype=jnp.float32)
    edge_in = n_in * jnp.exp(ls_in) + miu_in
    edge_out = n_out * jnp.exp(ls_out) + miu_out
    # node embedding: aggregate Gaussian edge views over bidirectional edges (special spmm)
    be = jnp.concatenate([jnp.take(h, bi_edge[0], axis=0), jnp.take(h, bi_edge[1], axis=0)], axis=1)
    b_miu = be @ W_miu
    b_ls = be @ W_sigma
    miu = jax.ops.segment_sum(bi_values[:, None] * b_miu, bi_edge[0], num_segments=N)
    logstd = 0.5 * jnp.log(jax.ops.segment_sum((bi_values ** 2)[:, None] * jnp.exp(b_ls), bi_edge[0], num_segments=N))
    gn = jax.random.normal(jax.random.fold_in(nkey, 2), (N, D_OUT), dtype=jnp.float32)
    node_embed = gn * jnp.exp(logstd) + miu
    return (node_embed, edge_in, edge_out)

if __name__ == "__main__":
    import jax
    _d = setup_inputs()
    print(jax.jit(kernel)(*tuple(_d.values())))

</pallas_src>

<mosaic_0001>
#map = affine_map<(d0, d1) -> (0, 0)>
#map1 = affine_map<(d0, d1) -> (0, 0, 0)>
module attributes {stable_mosaic.version = 14 : i64} {
  func.func @_spmm_body(%arg0: i32, %arg1: i32, %arg2: memref<10000x64xf32, #tpu.memory_space<hbm>>, %arg3: memref<32x125x80xi32, #tpu.memory_space<hbm>>, %arg4: memref<32x125x80xi32, #tpu.memory_space<hbm>>, %arg5: memref<32x10000xf32, #tpu.memory_space<hbm>>, %arg6: memref<2x10240x64xf32, #tpu.memory_space<hbm>>, %arg7: memref<125x80xi32, #tpu.memory_space<vmem>>, %arg8: memref<125x80xi32, #tpu.memory_space<vmem>>, %arg9: memref<10000xf32, #tpu.memory_space<vmem>>, %arg10: memref<80x64xf32, #tpu.memory_space<vmem>>, %arg11: memref<640x64xf32, #tpu.memory_space<vmem>>, %arg12: memref<10240x64xf32, #tpu.memory_space<vmem_shared>>, %arg13: memref<!tpu.dma_semaphore, #tpu.memory_space<semaphore_mem>>) attributes {dimension_semantics = [#tpu.dimension_semantics<core_parallel>, #tpu.dimension_semantics<subcore_parallel>], iteration_bounds = array<i64: 2, 16>, scalar_prefetch = 0 : i64, scratch_operands = 7 : i64, tpu.core_type = #tpu.core_type<sc_vector_subcore>, window_params = [{transform_indices = #map}, {transform_indices = #map1}, {transform_indices = #map1}, {transform_indices = #map}, {transform_indices = #map1}]} {
    %mul3A = arith.constant 16 : i32
    %mul3A_0 = arith.muli %arg0, %mul3A : i32
    %add3A = arith.addi %mul3A_0, %arg1 : i32
    "tpu.region"() ({
      %run_scoped3A = tpu.sem_alloc : memref<!tpu.dma_semaphore, #tpu.memory_space<semaphore_mem>>
      %dma_start3A = arith.constant 0 : i32
      %dma_start3A_20 = arith.constant 0 : i32
      %dma_start3A_21 = tpu.memref_slice %arg3[%add3A, %dma_start3A, %dma_start3A_20] : memref<32x125x80xi32, #tpu.memory_space<hbm>> -> memref<1x125x80xi32, #tpu.memory_space<hbm>>
      %dma_start3A_22 = tpu.memref_squeeze %dma_start3A_21 : memref<1x125x80xi32, #tpu.memory_space<hbm>> -> memref<125x80xi32, #tpu.memory_space<hbm>>
      %dma_start3A_23 = arith.constant 0 : i32
      %dma_start3A_24 = arith.constant 0 : i32
      %dma_start3A_25 = tpu.memref_slice %arg3[%add3A, %dma_start3A_23, %dma_start3A_24] : memref<32x125x80xi32, #tpu.memory_space<hbm>> -> memref<1x125x80xi32, #tpu.memory_space<hbm>>
      %dma_start3A_26 = tpu.memref_squeeze %dma_start3A_25 : memref<1x125x80xi32, #tpu.memory_space<hbm>> -> memref<125x80xi32, #tpu.memory_space<hbm>>
      tpu.enqueue_dma source(%dma_start3A_26 : memref<125x80xi32, #tpu.memory_space<hbm>>) target(%arg7 : memref<125x80xi32, #tpu.memory_space<vmem>>) target_semaphore(%run_scoped3A : memref<!tpu.dma_semaphore, #tpu.memory_space<semaphore_mem>>)
      %dma_wait3A = arith.constant 0 : i32
      %dma_wait3A_27 = arith.constant 0 : i32
      %dma_wait3A_28 = tpu.memref_slice %arg3[%add3A, %dma_wait3A, %dma_wait3A_27] : memref<32x125x80xi32, #tpu.memory_space<hbm>> -> memref<1x125x80xi32, #tpu.memory_space<hbm>>
      %dma_wait3A_29 = tpu.memref_squeeze %dma_wait3A_28 : memref<1x125x80xi32, #tpu.memory_space<hbm>> -> memref<125x80xi32, #tpu.memory_space<hbm>>
      %dma_wait3A_30 = arith.constant 0 : i32
      %dma_wait3A_31 = arith.constant 0 : i32
      %dma_wait3A_32 = tpu.memref_slice %arg3[%add3A, %dma_wait3A_30, %dma_wait3A_31] : memref<32x125x80xi32, #tpu.memory_space<hbm>> -> memref<1x125x80xi32, #tpu.memory_space<hbm>>
      %dma_wait3A_33 = tpu.memref_squeeze %dma_wait3A_32 : memref<1x125x80xi32, #tpu.memory_space<hbm>> -> memref<125x80xi32, #tpu.memory_space<hbm>>
      tpu.wait_dma2 semaphore(%run_scoped3A : memref<!tpu.dma_semaphore, #tpu.memory_space<semaphore_mem>>) src(%dma_wait3A_33 : memref<125x80xi32, #tpu.memory_space<hbm>>) dst(%arg7 : memref<125x80xi32, #tpu.memory_space<vmem>>)
      tpu.yield
    }) : () -> ()
    "tpu.region"() ({
      %run_scoped3A = tpu.sem_alloc : memref<!tpu.dma_semaphore, #tpu.memory_space<semaphore_mem>>
      %dma_start3A = arith.constant 0 : i32
      %dma_start3A_20 = arith.constant 0 : i32
      %dma_start3A_21 = tpu.memref_slice %arg4[%add3A, %dma_start3A, %dma_start3A_20] : memref<32x125x80xi32, #tpu.memory_space<hbm>> -> memref<1x125x80xi32, #tpu.memory_space<hbm>>
      %dma_start3A_22 = tpu.memref_squeeze %dma_start3A_21 : memref<1x125x80xi32, #tpu.memory_space<hbm>> -> memref<125x80xi32, #tpu.memory_space<hbm>>
      %dma_start3A_23 = arith.constant 0 : i32
      %dma_start3A_24 = arith.constant 0 : i32
      %dma_start3A_25 = tpu.memref_slice %arg4[%add3A, %dma_start3A_23, %dma_start3A_24] : memref<32x125x80xi32, #tpu.memory_space<hbm>> -> memref<1x125x80xi32, #tpu.memory_space<hbm>>
      %dma_start3A_26 = tpu.memref_squeeze %dma_start3A_25 : memref<1x125x80xi32, #tpu.memory_space<hbm>> -> memref<125x80xi32, #tpu.memory_space<hbm>>
      tpu.enqueue_dma source(%dma_start3A_26 : memref<125x80xi32, #tpu.memory_space<hbm>>) target(%arg8 : memref<125x80xi32, #tpu.memory_space<vmem>>) target_semaphore(%run_scoped3A : memref<!tpu.dma_semaphore, #tpu.memory_space<semaphore_mem>>)
      %dma_wait3A = arith.constant 0 : i32
      %dma_wait3A_27 = arith.constant 0 : i32
      %dma_wait3A_28 = tpu.memref_slice %arg4[%add3A, %dma_wait3A, %dma_wait3A_27] : memref<32x125x80xi32, #tpu.memory_space<hbm>> -> memref<1x125x80xi32, #tpu.memory_space<hbm>>
      %dma_wait3A_29 = tpu.memref_squeeze %dma_wait3A_28 : memref<1x125x80xi32, #tpu.memory_space<hbm>> -> memref<125x80xi32, #tpu.memory_space<hbm>>
      %dma_wait3A_30 = arith.constant 0 : i32
      %dma_wait3A_31 = arith.constant 0 : i32
      %dma_wait3A_32 = tpu.memref_slice %arg4[%add3A, %dma_wait3A_30, %dma_wait3A_31] : memref<32x125x80xi32, #tpu.memory_space<hbm>> -> memref<1x125x80xi32, #tpu.memory_space<hbm>>
      %dma_wait3A_33 = tpu.memref_squeeze %dma_wait3A_32 : memref<1x125x80xi32, #tpu.memory_space<hbm>> -> memref<125x80xi32, #tpu.memory_space<hbm>>
      tpu.wait_dma2 semaphore(%run_scoped3A : memref<!tpu.dma_semaphore, #tpu.memory_space<semaphore_mem>>) src(%dma_wait3A_33 : memref<125x80xi32, #tpu.memory_space<hbm>>) dst(%arg8 : memref<125x80xi32, #tpu.memory_space<vmem>>)
      tpu.yield
    }) : () -> ()
    "tpu.region"() ({
      %run_scoped3A = tpu.sem_alloc : memref<!tpu.dma_semaphore, #tpu.memory_space<semaphore_mem>>
      %dma_start3A = arith.constant 0 : i32
      %dma_start3A_20 = tpu.memref_slice %arg5[%add3A, %dma_start3A] : memref<32x10000xf32, #tpu.memory_space<hbm>> -> memref<1x10000xf32, #tpu.memory_space<hbm>>
      %dma_start3A_21 = tpu.memref_squeeze %dma_start3A_20 : memref<1x10000xf32, #tpu.memory_space<hbm>> -> memref<10000xf32, #tpu.memory_space<hbm>>
      %dma_start3A_22 = arith.constant 0 : i32
      %dma_start3A_23 = tpu.memref_slice %arg5[%add3A, %dma_start3A_22] : memref<32x10000xf32, #tpu.memory_space<hbm>> -> memref<1x10000xf32, #tpu.memory_space<hbm>>
      %dma_start3A_24 = tpu.memref_squeeze %dma_start3A_23 : memref<1x10000xf32, #tpu.memory_space<hbm>> -> memref<10000xf32, #tpu.memory_space<hbm>>
      tpu.enqueue_dma source(%dma_start3A_24 : memref<10000xf32, #tpu.memory_space<hbm>>) target(%arg9 : memref<10000xf32, #tpu.memory_space<vmem>>) target_semaphore(%run_scoped3A : memref<!tpu.dma_semaphore, #tpu.memory_space<semaphore_mem>>)
      %dma_wait3A = arith.constant 0 : i32
      %dma_wait3A_25 = tpu.memref_slice %arg5[%add3A, %dma_wait3A] : memref<32x10000xf32, #tpu.memory_space<hbm>> -> memref<1x10000xf32, #tpu.memory_space<hbm>>
      %dma_wait3A_26 = tpu.memref_squeeze %dma_wait3A_25 : memref<1x10000xf32, #tpu.memory_space<hbm>> -> memref<10000xf32, #tpu.memory_space<hbm>>
      %dma_wait3A_27 = arith.constant 0 : i32
      %dma_wait3A_28 = tpu.memref_slice %arg5[%add3A, %dma_wait3A_27] : memref<32x10000xf32, #tpu.memory_space<hbm>> -> memref<1x10000xf32, #tpu.memory_space<hbm>>
      %dma_wait3A_29 = tpu.memref_squeeze %dma_wait3A_28 : memref<1x10000xf32, #tpu.memory_space<hbm>> -> memref<10000xf32, #tpu.memory_space<hbm>>
      tpu.wait_dma2 semaphore(%run_scoped3A : memref<!tpu.dma_semaphore, #tpu.memory_space<semaphore_mem>>) src(%dma_wait3A_29 : memref<10000xf32, #tpu.memory_space<hbm>>) dst(%arg9 : memref<10000xf32, #tpu.memory_space<vmem>>)
      tpu.yield
    }) : () -> ()
    %broadcast_in_dim3A = arith.constant 0.000000e+00 : f32
    %broadcast_in_dim3A_1 = vector.broadcast %broadcast_in_dim3A : f32 to vector<16xf32>
    %scan3A = arith.constant 0 : i32
    %scan3A_2 = arith.constant 0 : i32
    %scan3A_3 = arith.constant 640 : i32
    %scan3A_4 = arith.addi %scan3A_2, %scan3A_3 : i32
    %scan3A_5 = arith.constant 1 : i32
    scf.for %scan3A_20 = %scan3A_2 to %scan3A_4 step %scan3A_5  : i32 {
      %swap3A = arith.index_cast %scan3A_20 : i32 to index
      %swap3A_21 = arith.constant 0 : index
      %swap3A_22 = tpu.vector_load %arg11[%swap3A, %swap3A_21] {strides = array<i32>} : memref<640x64xf32, #tpu.memory_space<vmem>>, vector<16xf32>,
      tpu.vector_store %arg11[%swap3A, %swap3A_21], %broadcast_in_dim3A_1 {strides = array<i32>} : memref<640x64xf32, #tpu.memory_space<vmem>>, vector<16xf32>,
      %swap3A_23 = arith.index_cast %scan3A_20 : i32 to index
      %swap3A_24 = arith.constant 16 : index
      %swap3A_25 = tpu.vector_load %arg11[%swap3A_23, %swap3A_24] {strides = array<i32>} : memref<640x64xf32, #tpu.memory_space<vmem>>, vector<16xf32>,
      tpu.vector_store %arg11[%swap3A_23, %swap3A_24], %broadcast_in_dim3A_1 {strides = array<i32>} : memref<640x64xf32, #tpu.memory_space<vmem>>, vector<16xf32>,
      %swap3A_26 = arith.index_cast %scan3A_20 : i32 to index
      %swap3A_27 = arith.constant 32 : index
      %swap3A_28 = tpu.vector_load %arg11[%swap3A_26, %swap3A_27] {strides = array<i32>} : memref<640x64xf32, #tpu.memory_space<vmem>>, vector<16xf32>,
      tpu.vector_store %arg11[%swap3A_26, %swap3A_27], %broadcast_in_dim3A_1 {strides = array<i32>} : memref<640x64xf32, #tpu.memory_space<vmem>>, vector<16xf32>,
      %swap3A_29 = arith.index_cast %scan3A_20 : i32 to index
      %swap3A_30 = arith.constant 48 : index
      %swap3A_31 = tpu.vector_load %arg11[%swap3A_29, %swap3A_30] {strides = array<i32>} : memref<640x64xf32, #tpu.memory_space<vmem>>, vector<16xf32>,
      tpu.vector_store %arg11[%swap3A_29, %swap3A_30], %broadcast_in_dim3A_1 {strides = array<i32>} : memref<640x64xf32, #tpu.memory_space<vmem>>, vector<16xf32>,
    }
    %scan3A_6 = arith.constant 640 : i32
    %mul3A_7 = arith.constant 640 : i32
    %mul3A_8 = arith.muli %arg1, %mul3A_7 : i32
    "tpu.region"() ({
      %run_scoped3A = tpu.sem_alloc : memref<!tpu.dma_semaphore, #tpu.memory_space<semaphore_mem>>
      %dma_start3A = arith.constant 0 : i32
      %dma_start3A_20 = tpu.memref_slice %arg12[%mul3A_8, %dma_start3A] : memref<10240x64xf32, #tpu.memory_space<vmem_shared>> -> memref<640x64xf32, #tpu.memory_space<vmem_shared>>
      %dma_start3A_21 = arith.constant 0 : i32
      %dma_start3A_22 = tpu.memref_slice %arg12[%mul3A_8, %dma_start3A_21] : memref<10240x64xf32, #tpu.memory_space<vmem_shared>> -> memref<640x64xf32, #tpu.memory_space<vmem_shared>>
      tpu.enqueue_dma source(%arg11 : memref<640x64xf32, #tpu.memory_space<vmem>>) target(%dma_start3A_22 : memref<640x64xf32, #tpu.memory_space<vmem_shared>>) target_semaphore(%run_scoped3A : memref<!tpu.dma_semaphore, #tpu.memory_space<semaphore_mem>>)
      %dma_wait3A = arith.constant 0 : i32
      %dma_wait3A_23 = tpu.memref_slice %arg12[%mul3A_8, %dma_wait3A] : memref<10240x64xf32, #tpu.memory_space<vmem_shared>> -> memref<640x64xf32, #tpu.memory_space<vmem_shared>>
      %dma_wait3A_24 = arith.constant 0 : i32
      %dma_wait3A_25 = tpu.memref_slice %arg12[%mul3A_8, %dma_wait3A_24] : memref<10240x64xf32, #tpu.memory_space<vmem_shared>> -> memref<640x64xf32, #tpu.memory_space<vmem_shared>>
      tpu.wait_dma2 semaphore(%run_scoped3A : memref<!tpu.dma_semaphore, #tpu.memory_space<semaphore_mem>>) src(%arg11 : memref<640x64xf32, #tpu.memory_space<vmem>>) dst(%dma_wait3A_25 : memref<640x64xf32, #tpu.memory_space<vmem_shared>>)
      tpu.yield
    }) : () -> ()
    %barrier3A = arith.constant 0 : index
    tpu.barrier barrier_id(%barrier3A)
    %scan3A_9 = arith.constant 0 : i32
    %scan3A_10 = arith.constant 0 : i32
    %scan3A_11 = arith.constant 125 : i32
    %scan3A_12 = arith.addi %scan3A_10, %scan3A_11 : i32
    %scan3A_13 = arith.constant 1 : i32
    scf.for %scan3A_20 = %scan3A_10 to %scan3A_12 step %scan3A_13  : i32 {
      %dma_start3A = arith.constant 0 : i32
      %dma_start3A_21 = tpu.memref_slice %arg8[%scan3A_20, %dma_start3A] : memref<125x80xi32, #tpu.memory_space<vmem>> -> memref<1x80xi32, #tpu.memory_space<vmem>>
      %dma_start3A_22 = tpu.memref_squeeze %dma_start3A_21 : memref<1x80xi32, #tpu.memory_space<vmem>> -> memref<80xi32, #tpu.memory_space<vmem>>
      %dma_start3A_23 = arith.constant 0 : i32
      %dma_start3A_24 = arith.constant 0 : i32
      %dma_start3A_25 = tpu.memref_slice %arg2[%dma_start3A_23, %dma_start3A_24] : memref<10000x64xf32, #tpu.memory_space<hbm>> -> memref<10000x64xf32, #tpu.memory_space<hbm>>
      tpu.enqueue_indirect_dma source(%dma_start3A_25 : memref<10000x64xf32, #tpu.memory_space<hbm>>) target(%arg10 : memref<80x64xf32, #tpu.memory_space<vmem>>) offsets(%dma_start3A_22 : memref<80xi32, #tpu.memory_space<vmem>>) semaphore(%arg13 : memref<!tpu.dma_semaphore, #tpu.memory_space<semaphore_mem>>)
      %dma_wait3A = arith.constant 0 : i32
      %dma_wait3A_26 = tpu.memref_slice %arg8[%scan3A_20, %dma_wait3A] : memref<125x80xi32, #tpu.memory_space<vmem>> -> memref<1x80xi32, #tpu.memory_space<vmem>>
      %dma_wait3A_27 = tpu.memref_squeeze %dma_wait3A_26 : memref<1x80xi32, #tpu.memory_space<vmem>> -> memref<80xi32, #tpu.memory_space<vmem>>
      %dma_wait3A_28 = arith.constant 0 : i32
      %dma_wait3A_29 = arith.constant 0 : i32
      %dma_wait3A_30 = tpu.memref_slice %arg2[%dma_wait3A_28, %dma_wait3A_29] : memref<10000x64xf32, #tpu.memory_space<hbm>> -> memref<10000x64xf32, #tpu.memory_space<hbm>>
      tpu.wait_indirect_dma semaphore(%arg13 : memref<!tpu.dma_semaphore, #tpu.memory_space<semaphore_mem>>) src(%dma_wait3A_30 : memref<10000x64xf32, #tpu.memory_space<hbm>>) dst(%arg10 : memref<80x64xf32, #tpu.memory_space<vmem>>)
      %mul3A_31 = arith.constant 80 : i32
      %mul3A_32 = arith.muli %scan3A_20, %mul3A_31 : i32
      %broadcast_in_dim3A_33 = vector.broadcast %mul3A_32 : i32 to vector<16xi32>
      %scan3A_34 = arith.constant 0 : i32
      %scan3A_35 = arith.constant 0 : i32
      %scan3A_36 = arith.constant 80 : i32
      %scan3A_37 = arith.addi %scan3A_35, %scan3A_36 : i32
      %scan3A_38 = arith.constant 1 : i32
      scf.for %scan3A_40 = %scan3A_35 to %scan3A_37 step %scan3A_38  : i32 {
        %add3A_41 = vector.broadcast %scan3A_40 : i32 to vector<16xi32>
        %add3A_42 = arith.addi %broadcast_in_dim3A_33, %add3A_41 : vector<16xi32>
        %gather3A = tpu.vector_load_idx %arg9[%add3A_42] : memref<10000xf32, #tpu.memory_space<vmem>>[vector<16xi32>], vector<16xf32>,
        %get3A = arith.index_cast %scan3A_40 : i32 to index
        %get3A_43 = arith.constant 0 : index
        %get3A_44 = tpu.vector_load %arg10[%get3A, %get3A_43] {strides = array<i32>} : memref<80x64xf32, #tpu.memory_space<vmem>>, vector<16xf32>,
        %mul3A_45 = arith.mulf %get3A_44, %gather3A : vector<16xf32>
        %swap3A = arith.index_cast %scan3A_40 : i32 to index
        %swap3A_46 = arith.constant 0 : index
        %swap3A_47 = tpu.vector_load %arg10[%swap3A, %swap3A_46] {strides = array<i32>} : memref<80x64xf32, #tpu.memory_space<vmem>>, vector<16xf32>,
        tpu.vector_store %arg10[%swap3A, %swap3A_46], %mul3A_45 {strides = array<i32>} : memref<80x64xf32, #tpu.memory_space<vmem>>, vector<16xf32>,
        %get3A_48 = arith.index_cast %scan3A_40 : i32 to index
        %get3A_49 = arith.constant 16 : index
        %get3A_50 = tpu.vector_load %arg10[%get3A_48, %get3A_49] {strides = array<i32>} : memref<80x64xf32, #tpu.memory_space<vmem>>, vector<16xf32>,
        %mul3A_51 = arith.mulf %get3A_50, %gather3A : vector<16xf32>
        %swap3A_52 = arith.index_cast %scan3A_40 : i32 to index
        %swap3A_53 = arith.constant 16 : index
        %swap3A_54 = tpu.vector_load %arg10[%swap3A_52, %swap3A_53] {strides = array<i32>} : memref<80x64xf32, #tpu.memory_space<vmem>>, vector<16xf32>,
        tpu.vector_store %arg10[%swap3A_52, %swap3A_53], %mul3A_51 {strides = array<i32>} : memref<80x64xf32, #tpu.memory_space<vmem>>, vector<16xf32>,
        %get3A_55 = arith.index_cast %scan3A_40 : i32 to index
        %get3A_56 = arith.constant 32 : index
        %get3A_57 = tpu.vector_load %arg10[%get3A_55, %get3A_56] {strides = array<i32>} : memref<80x64xf32, #tpu.memory_space<vmem>>, vector<16xf32>,
        %mul3A_58 = arith.mulf %get3A_57, %gather3A : vector<16xf32>
        %swap3A_59 = arith.index_cast %scan3A_40 : i32 to index
        %swap3A_60 = arith.constant 32 : index
        %swap3A_61 = tpu.vector_load %arg10[%swap3A_59, %swap3A_60] {strides = array<i32>} : memref<80x64xf32, #tpu.memory_space<vmem>>, vector<16xf32>,
        tpu.vector_store %arg10[%swap3A_59, %swap3A_60], %mul3A_58 {strides = array<i32>} : memref<80x64xf32, #tpu.memory_space<vmem>>, vector<16xf32>,
        %get3A_62 = arith.index_cast %scan3A_40 : i32 to index
        %get3A_63 = arith.constant 48 : index
        %get3A_64 = tpu.vector_load %arg10[%get3A_62, %get3A_63] {strides = array<i32>} : memref<80x64xf32, #tpu.memory_space<vmem>>, vector<16xf32>,
        %mul3A_65 = arith.mulf %get3A_64, %gather3A : vector<16xf32>
        %swap3A_66 = arith.index_cast %scan3A_40 : i32 to index
        %swap3A_67 = arith.constant 48 : index
        %swap3A_68 = tpu.vector_load %arg10[%swap3A_66, %swap3A_67] {strides = array<i32>} : memref<80x64xf32, #tpu.memory_space<vmem>>, vector<16xf32>,
        tpu.vector_store %arg10[%swap3A_66, %swap3A_67], %mul3A_65 {strides = array<i32>} : memref<80x64xf32, #tpu.memory_space<vmem>>, vector<16xf32>,
      }
      %scan3A_39 = arith.constant 80 : i32
      "tpu.region"() ({
        %run_scoped3A = tpu.sem_alloc : memref<!tpu.dma_semaphore, #tpu.memory_space<semaphore_mem>>
        %dma_start3A_40 = arith.constant 0 : i32
        %dma_start3A_41 = tpu.memref_slice %arg7[%scan3A_20, %dma_start3A_40] : memref<125x80xi32, #tpu.memory_space<vmem>> -> memref<1x80xi32, #tpu.memory_space<vmem>>
        %dma_start3A_42 = tpu.memref_squeeze %dma_start3A_41 : memref<1x80xi32, #tpu.memory_space<vmem>> -> memref<80xi32, #tpu.memory_space<vmem>>
        %dma_start3A_43 = arith.constant 0 : i32
        %dma_start3A_44 = arith.constant 0 : i32
        %dma_start3A_45 = tpu.memref_slice %arg12[%dma_start3A_43, %dma_start3A_44] : memref<10240x64xf32, #tpu.memory_space<vmem_shared>> -> memref<10240x64xf32, #tpu.memory_space<vmem_shared>>
        tpu.enqueue_indirect_dma source(%arg10 : memref<80x64xf32, #tpu.memory_space<vmem>>) target(%dma_start3A_45 : memref<10240x64xf32, #tpu.memory_space<vmem_shared>>) offsets(%dma_start3A_42 : memref<80xi32, #tpu.memory_space<vmem>>) semaphore(%run_scoped3A : memref<!tpu.dma_semaphore, #tpu.memory_space<semaphore_mem>>) {add = true}
        %dma_wait3A_46 = arith.constant 0 : i32
        %dma_wait3A_47 = tpu.memref_slice %arg7[%scan3A_20, %dma_wait3A_46] : memref<125x80xi32, #tpu.memory_space<vmem>> -> memref<1x80xi32, #tpu.memory_space<vmem>>
        %dma_wait3A_48 = tpu.memref_squeeze %dma_wait3A_47 : memref<1x80xi32, #tpu.memory_space<vmem>> -> memref<80xi32, #tpu.memory_space<vmem>>
        %dma_wait3A_49 = arith.constant 0 : i32
        %dma_wait3A_50 = arith.constant 0 : i32
        %dma_wait3A_51 = tpu.memref_slice %arg12[%dma_wait3A_49, %dma_wait3A_50] : memref<10240x64xf32, #tpu.memory_space<vmem_shared>> -> memref<10240x64xf32, #tpu.memory_space<vmem_shared>>
        tpu.wait_indirect_dma semaphore(%run_scoped3A : memref<!tpu.dma_semaphore, #tpu.memory_space<semaphore_mem>>) src(%arg10 : memref<80x64xf32, #tpu.memory_space<vmem>>) dst(%dma_wait3A_51 : memref<10240x64xf32, #tpu.memory_space<vmem_shared>>)
        tpu.yield
      }) : () -> ()
    }
    %scan3A_14 = arith.constant 125 : i32
    %barrier3A_15 = arith.constant 0 : index
    tpu.barrier barrier_id(%barrier3A_15)
    %mul3A_16 = arith.constant 640 : i32
    %mul3A_17 = arith.muli %arg1, %mul3A_16 : i32
    "tpu.region"() ({
      %run_scoped3A = tpu.sem_alloc : memref<!tpu.dma_semaphore, #tpu.memory_space<semaphore_mem>>
      %dma_start3A = arith.constant 0 : i32
      %dma_start3A_20 = tpu.memref_slice %arg12[%mul3A_17, %dma_start3A] : memref<10240x64xf32, #tpu.memory_space<vmem_shared>> -> memref<640x64xf32, #tpu.memory_space<vmem_shared>>
      %dma_start3A_21 = arith.constant 0 : i32
      %dma_start3A_22 = tpu.memref_slice %arg12[%mul3A_17, %dma_start3A_21] : memref<10240x64xf32, #tpu.memory_space<vmem_shared>> -> memref<640x64xf32, #tpu.memory_space<vmem_shared>>
      tpu.enqueue_dma source(%dma_start3A_22 : memref<640x64xf32, #tpu.memory_space<vmem_shared>>) target(%arg11 : memref<640x64xf32, #tpu.memory_space<vmem>>) target_semaphore(%run_scoped3A : memref<!tpu.dma_semaphore, #tpu.memory_space<semaphore_mem>>)
      %dma_wait3A = arith.constant 0 : i32
      %dma_wait3A_23 = tpu.memref_slice %arg12[%mul3A_17, %dma_wait3A] : memref<10240x64xf32, #tpu.memory_space<vmem_shared>> -> memref<640x64xf32, #tpu.memory_space<vmem_shared>>
      %dma_wait3A_24 = arith.constant 0 : i32
      %dma_wait3A_25 = tpu.memref_slice %arg12[%mul3A_17, %dma_wait3A_24] : memref<10240x64xf32, #tpu.memory_space<vmem_shared>> -> memref<640x64xf32, #tpu.memory_space<vmem_shared>>
      tpu.wait_dma2 semaphore(%run_scoped3A : memref<!tpu.dma_semaphore, #tpu.memory_space<semaphore_mem>>) src(%dma_wait3A_25 : memref<640x64xf32, #tpu.memory_space<vmem_shared>>) dst(%arg11 : memref<640x64xf32, #tpu.memory_space<vmem>>)
      tpu.yield
    }) : () -> ()
    %mul3A_18 = arith.constant 640 : i32
    %mul3A_19 = arith.muli %arg1, %mul3A_18 : i32
    "tpu.region"() ({
      %run_scoped3A = tpu.sem_alloc : memref<!tpu.dma_semaphore, #tpu.memory_space<semaphore_mem>>
      %dma_start3A = arith.constant 0 : i32
      %dma_start3A_20 = tpu.memref_slice %arg6[%arg0, %mul3A_19, %dma_start3A] : memref<2x10240x64xf32, #tpu.memory_space<hbm>> -> memref<1x640x64xf32, #tpu.memory_space<hbm>>
      %dma_start3A_21 = tpu.memref_squeeze %dma_start3A_20 : memref<1x640x64xf32, #tpu.memory_space<hbm>> -> memref<640x64xf32, #tpu.memory_space<hbm>>
      %dma_start3A_22 = arith.constant 0 : i32
      %dma_start3A_23 = tpu.memref_slice %arg6[%arg0, %mul3A_19, %dma_start3A_22] : memref<2x10240x64xf32, #tpu.memory_space<hbm>> -> memref<1x640x64xf32, #tpu.memory_space<hbm>>
      %dma_start3A_24 = tpu.memref_squeeze %dma_start3A_23 : memref<1x640x64xf32, #tpu.memory_space<hbm>> -> memref<640x64xf32, #tpu.memory_space<hbm>>
      tpu.enqueue_dma source(%arg11 : memref<640x64xf32, #tpu.memory_space<vmem>>) target(%dma_start3A_24 : memref<640x64xf32, #tpu.memory_space<hbm>>) target_semaphore(%run_scoped3A : memref<!tpu.dma_semaphore, #tpu.memory_space<semaphore_mem>>)
      %dma_wait3A = arith.constant 0 : i32
      %dma_wait3A_25 = tpu.memref_slice %arg6[%arg0, %mul3A_19, %dma_wait3A] : memref<2x10240x64xf32, #tpu.memory_space<hbm>> -> memref<1x640x64xf32, #tpu.memory_space<hbm>>
      %dma_wait3A_26 = tpu.memref_squeeze %dma_wait3A_25 : memref<1x640x64xf32, #tpu.memory_space<hbm>> -> memref<640x64xf32, #tpu.memory_space<hbm>>
      %dma_wait3A_27 = arith.constant 0 : i32
      %dma_wait3A_28 = tpu.memref_slice %arg6[%arg0, %mul3A_19, %dma_wait3A_27] : memref<2x10240x64xf32, #tpu.memory_space<hbm>> -> memref<1x640x64xf32, #tpu.memory_space<hbm>>
      %dma_wait3A_29 = tpu.memref_squeeze %dma_wait3A_28 : memref<1x640x64xf32, #tpu.memory_space<hbm>> -> memref<640x64xf32, #tpu.memory_space<hbm>>
      tpu.wait_dma2 semaphore(%run_scoped3A : memref<!tpu.dma_semaphore, #tpu.memory_space<semaphore_mem>>) src(%arg11 : memref<640x64xf32, #tpu.memory_space<vmem>>) dst(%dma_wait3A_29 : memref<640x64xf32, #tpu.memory_space<hbm>>)
      tpu.yield
    }) : () -> ()
    return
  }
}

#map = affine_map<(d0, d1) -> (0, 0)>
#map1 = affine_map<(d0, d1) -> (0, 0, 0)>
module attributes {stable_mosaic.version = 14 : i64} {
  func.func @_node_body(%arg0: i32, %arg1: i32, %arg2: memref<20480x32xf32, #tpu.memory_space<hbm>>, %arg3: memref<32x125x80xi32, #tpu.memory_space<hbm>>, %arg4: memref<32x125x80xi32, #tpu.memory_space<hbm>>, %arg5: memref<32x125x80xi32, #tpu.memory_space<hbm>>, %arg6: memref<32x10000xf32, #tpu.memory_space<hbm>>, %arg7: memref<2x10240x32xf32, #tpu.memory_space<hbm>>, %arg8: memref<125x80xi32, #tpu.memory_space<vmem>>, %arg9: memref<125x80xi32, #tpu.memory_space<vmem>>, %arg10: memref<125x80xi32, #tpu.memory_space<vmem>>, %arg11: memref<10000xf32, #tpu.memory_space<vmem>>, %arg12: memref<80x32xf32, #tpu.memory_space<vmem>>, %arg13: memref<80x32xf32, #tpu.memory_space<vmem>>, %arg14: memref<80x32xf32, #tpu.memory_space<vmem>>, %arg15: memref<640x32xf32, #tpu.memory_space<vmem>>, %arg16: memref<10240x32xf32, #tpu.memory_space<vmem_shared>>, %arg17: memref<!tpu.dma_semaphore, #tpu.memory_space<semaphore_mem>>) attributes {dimension_semantics = [#tpu.dimension_semantics<core_parallel>, #tpu.dimension_semantics<subcore_parallel>], iteration_bounds = array<i64: 2, 16>, scalar_prefetch = 0 : i64, scratch_operands = 10 : i64, tpu.core_type = #tpu.core_type<sc_vector_subcore>, window_params = [{transform_indices = #map}, {transform_indices = #map1}, {transform_indices = #map1}, {transform_indices = #map1}, {transform_indices = #map}, {transform_indices = #map1}]} {
    %mul3A = arith.constant 16 : i32
    %mul3A_0 = arith.muli %arg0, %mul3A : i32
    %add3A = arith.addi %mul3A_0, %arg1 : i32
    "tpu.region"() ({
      %run_scoped3A = tpu.sem_alloc : memref<!tpu.dma_semaphore, #tpu.memory_space<semaphore_mem>>
      %dma_start3A = arith.constant 0 : i32
      %dma_start3A_20 = arith.constant 0 : i32
      %dma_start3A_21 = tpu.memref_slice %arg3[%add3A, %dma_start3A, %dma_start3A_20] : memref<32x125x80xi32, #tpu.memory_space<hbm>> -> memref<1x125x80xi32, #tpu.memory_space<hbm>>
      %dma_start3A_22 = tpu.memref_squeeze %dma_start3A_21 : memref<1x125x80xi32, #tpu.memory_space<hbm>> -> memref<125x80xi32, #tpu.memory_space<hbm>>
      %dma_start3A_23 = arith.constant 0 : i32
      %dma_start3A_24 = arith.constant 0 : i32
      %dma_start3A_25 = tpu.memref_slice %arg3[%add3A, %dma_start3A_23, %dma_start3A_24] : memref<32x125x80xi32, #tpu.memory_space<hbm>> -> memref<1x125x80xi32, #tpu.memory_space<hbm>>
      %dma_start3A_26 = tpu.memref_squeeze %dma_start3A_25 : memref<1x125x80xi32, #tpu.memory_space<hbm>> -> memref<125x80xi32, #tpu.memory_space<hbm>>
      tpu.enqueue_dma source(%dma_start3A_26 : memref<125x80xi32, #tpu.memory_space<hbm>>) target(%arg8 : memref<125x80xi32, #tpu.memory_space<vmem>>) target_semaphore(%run_scoped3A : memref<!tpu.dma_semaphore, #tpu.memory_space<semaphore_mem>>)
      %dma_wait3A = arith.constant 0 : i32
      %dma_wait3A_27 = arith.constant 0 : i32
      %dma_wait3A_28 = tpu.memref_slice %arg3[%add3A, %dma_wait3A, %dma_wait3A_27] : memref<32x125x80xi32, #tpu.memory_space<hbm>> -> memref<1x125x80xi32, #tpu.memory_space<hbm>>
      %dma_wait3A_29 = tpu.memref_squeeze %dma_wait3A_28 : memref<1x125x80xi32, #tpu.memory_space<hbm>> -> memref<125x80xi32, #tpu.memory_space<hbm>>
      %dma_wait3A_30 = arith.constant 0 : i32
      %dma_wait3A_31 = arith.constant 0 : i32
      %dma_wait3A_32 = tpu.memref_slice %arg3[%add3A, %dma_wait3A_30, %dma_wait3A_31] : memref<32x125x80xi32, #tpu.memory_space<hbm>> -> memref<1x125x80xi32, #tpu.memory_space<hbm>>
      %dma_wait3A_33 = tpu.memref_squeeze %dma_wait3A_32 : memref<1x125x80xi32, #tpu.memory_space<hbm>> -> memref<125x80xi32, #tpu.memory_space<hbm>>
      tpu.wait_dma2 semaphore(%run_scoped3A : memref<!tpu.dma_semaphore, #tpu.memory_space<semaphore_mem>>) src(%dma_wait3A_33 : memref<125x80xi32, #tpu.memory_space<hbm>>) dst(%arg8 : memref<125x80xi32, #tpu.memory_space<vmem>>)
      tpu.yield
    }) : () -> ()
    "tpu.region"() ({
      %run_scoped3A = tpu.sem_alloc : memref<!tpu.dma_semaphore, #tpu.memory_space<semaphore_mem>>
      %dma_start3A = arith.constant 0 : i32
      %dma_start3A_20 = arith.constant 0 : i32
      %dma_start3A_21 = tpu.memref_slice %arg4[%add3A, %dma_start3A, %dma_start3A_20] : memref<32x125x80xi32, #tpu.memory_space<hbm>> -> memref<1x125x80xi32, #tpu.memory_space<hbm>>
      %dma_start3A_22 = tpu.memref_squeeze %dma_start3A_21 : memref<1x125x80xi32, #tpu.memory_space<hbm>> -> memref<125x80xi32, #tpu.memory_space<hbm>>
      %dma_start3A_23 = arith.constant 0 : i32
      %dma_start3A_24 = arith.constant 0 : i32
      %dma_start3A_25 = tpu.memref_slice %arg4[%add3A, %dma_start3A_23, %dma_start3A_24] : memref<32x125x80xi32, #tpu.memory_space<hbm>> -> memref<1x125x80xi32, #tpu.memory_space<hbm>>
      %dma_start3A_26 = tpu.memref_squeeze %dma_start3A_25 : memref<1x125x80xi32, #tpu.memory_space<hbm>> -> memref<125x80xi32, #tpu.memory_space<hbm>>
      tpu.enqueue_dma source(%dma_start3A_26 : memref<125x80xi32, #tpu.memory_space<hbm>>) target(%arg9 : memref<125x80xi32, #tpu.memory_space<vmem>>) target_semaphore(%run_scoped3A : memref<!tpu.dma_semaphore, #tpu.memory_space<semaphore_mem>>)
      %dma_wait3A = arith.constant 0 : i32
      %dma_wait3A_27 = arith.constant 0 : i32
      %dma_wait3A_28 = tpu.memref_slice %arg4[%add3A, %dma_wait3A, %dma_wait3A_27] : memref<32x125x80xi32, #tpu.memory_space<hbm>> -> memref<1x125x80xi32, #tpu.memory_space<hbm>>
      %dma_wait3A_29 = tpu.memref_squeeze %dma_wait3A_28 : memref<1x125x80xi32, #tpu.memory_space<hbm>> -> memref<125x80xi32, #tpu.memory_space<hbm>>
      %dma_wait3A_30 = arith.constant 0 : i32
      %dma_wait3A_31 = arith.constant 0 : i32
      %dma_wait3A_32 = tpu.memref_slice %arg4[%add3A, %dma_wait3A_30, %dma_wait3A_31] : memref<32x125x80xi32, #tpu.memory_space<hbm>> -> memref<1x125x80xi32, #tpu.memory_space<hbm>>
      %dma_wait3A_33 = tpu.memref_squeeze %dma_wait3A_32 : memref<1x125x80xi32, #tpu.memory_space<hbm>> -> memref<125x80xi32, #tpu.memory_space<hbm>>
      tpu.wait_dma2 semaphore(%run_scoped3A : memref<!tpu.dma_semaphore, #tpu.memory_space<semaphore_mem>>) src(%dma_wait3A_33 : memref<125x80xi32, #tpu.memory_space<hbm>>) dst(%arg9 : memref<125x80xi32, #tpu.memory_space<vmem>>)
      tpu.yield
    }) : () -> ()
    "tpu.region"() ({
      %run_scoped3A = tpu.sem_alloc : memref<!tpu.dma_semaphore, #tpu.memory_space<semaphore_mem>>
      %dma_start3A = arith.constant 0 : i32
      %dma_start3A_20 = arith.constant 0 : i32
      %dma_start3A_21 = tpu.memref_slice %arg5[%add3A, %dma_start3A, %dma_start3A_20] : memref<32x125x80xi32, #tpu.memory_space<hbm>> -> memref<1x125x80xi32, #tpu.memory_space<hbm>>
      %dma_start3A_22 = tpu.memref_squeeze %dma_start3A_21 : memref<1x125x80xi32, #tpu.memory_space<hbm>> -> memref<125x80xi32, #tpu.memory_space<hbm>>
      %dma_start3A_23 = arith.constant 0 : i32
      %dma_start3A_24 = arith.constant 0 : i32
      %dma_start3A_25 = tpu.memref_slice %arg5[%add3A, %dma_start3A_23, %dma_start3A_24] : memref<32x125x80xi32, #tpu.memory_space<hbm>> -> memref<1x125x80xi32, #tpu.memory_space<hbm>>
      %dma_start3A_26 = tpu.memref_squeeze %dma_start3A_25 : memref<1x125x80xi32, #tpu.memory_space<hbm>> -> memref<125x80xi32, #tpu.memory_space<hbm>>
      tpu.enqueue_dma source(%dma_start3A_26 : memref<125x80xi32, #tpu.memory_space<hbm>>) target(%arg10 : memref<125x80xi32, #tpu.memory_space<vmem>>) target_semaphore(%run_scoped3A : memref<!tpu.dma_semaphore, #tpu.memory_space<semaphore_mem>>)
      %dma_wait3A = arith.constant 0 : i32
      %dma_wait3A_27 = arith.constant 0 : i32
      %dma_wait3A_28 = tpu.memref_slice %arg5[%add3A, %dma_wait3A, %dma_wait3A_27] : memref<32x125x80xi32, #tpu.memory_space<hbm>> -> memref<1x125x80xi32, #tpu.memory_space<hbm>>
      %dma_wait3A_29 = tpu.memref_squeeze %dma_wait3A_28 : memref<1x125x80xi32, #tpu.memory_space<hbm>> -> memref<125x80xi32, #tpu.memory_space<hbm>>
      %dma_wait3A_30 = arith.constant 0 : i32
      %dma_wait3A_31 = arith.constant 0 : i32
      %dma_wait3A_32 = tpu.memref_slice %arg5[%add3A, %dma_wait3A_30, %dma_wait3A_31] : memref<32x125x80xi32, #tpu.memory_space<hbm>> -> memref<1x125x80xi32, #tpu.memory_space<hbm>>
      %dma_wait3A_33 = tpu.memref_squeeze %dma_wait3A_32 : memref<1x125x80xi32, #tpu.memory_space<hbm>> -> memref<125x80xi32, #tpu.memory_space<hbm>>
      tpu.wait_dma2 semaphore(%run_scoped3A : memref<!tpu.dma_semaphore, #tpu.memory_space<semaphore_mem>>) src(%dma_wait3A_33 : memref<125x80xi32, #tpu.memory_space<hbm>>) dst(%arg10 : memref<125x80xi32, #tpu.memory_space<vmem>>)
      tpu.yield
    }) : () -> ()
    "tpu.region"() ({
      %run_scoped3A = tpu.sem_alloc : memref<!tpu.dma_semaphore, #tpu.memory_space<semaphore_mem>>
      %dma_start3A = arith.constant 0 : i32
      %dma_start3A_20 = tpu.memref_slice %arg6[%add3A, %dma_start3A] : memref<32x10000xf32, #tpu.memory_space<hbm>> -> memref<1x10000xf32, #tpu.memory_space<hbm>>
      %dma_start3A_21 = tpu.memref_squeeze %dma_start3A_20 : memref<1x10000xf32, #tpu.memory_space<hbm>> -> memref<10000xf32, #tpu.memory_space<hbm>>
      %dma_start3A_22 = arith.constant 0 : i32
      %dma_start3A_23 = tpu.memref_slice %arg6[%add3A, %dma_start3A_22] : memref<32x10000xf32, #tpu.memory_space<hbm>> -> memref<1x10000xf32, #tpu.memory_space<hbm>>
      %dma_start3A_24 = tpu.memref_squeeze %dma_start3A_23 : memref<1x10000xf32, #tpu.memory_space<hbm>> -> memref<10000xf32, #tpu.memory_space<hbm>>
      tpu.enqueue_dma source(%dma_start3A_24 : memref<10000xf32, #tpu.memory_space<hbm>>) target(%arg11 : memref<10000xf32, #tpu.memory_space<vmem>>) target_semaphore(%run_scoped3A : memref<!tpu.dma_semaphore, #tpu.memory_space<semaphore_mem>>)
      %dma_wait3A = arith.constant 0 : i32
      %dma_wait3A_25 = tpu.memref_slice %arg6[%add3A, %dma_wait3A] : memref<32x10000xf32, #tpu.memory_space<hbm>> -> memref<1x10000xf32, #tpu.memory_space<hbm>>
      %dma_wait3A_26 = tpu.memref_squeeze %dma_wait3A_25 : memref<1x10000xf32, #tpu.memory_space<hbm>> -> memref<10000xf32, #tpu.memory_space<hbm>>
      %dma_wait3A_27 = arith.constant 0 : i32
      %dma_wait3A_28 = tpu.memref_slice %arg6[%add3A, %dma_wait3A_27] : memref<32x10000xf32, #tpu.memory_space<hbm>> -> memref<1x10000xf32, #tpu.memory_space<hbm>>
      %dma_wait3A_29 = tpu.memref_squeeze %dma_wait3A_28 : memref<1x10000xf32, #tpu.memory_space<hbm>> -> memref<10000xf32, #tpu.memory_space<hbm>>
      tpu.wait_dma2 semaphore(%run_scoped3A : memref<!tpu.dma_semaphore, #tpu.memory_space<semaphore_mem>>) src(%dma_wait3A_29 : memref<10000xf32, #tpu.memory_space<hbm>>) dst(%arg11 : memref<10000xf32, #tpu.memory_space<vmem>>)
      tpu.yield
    }) : () -> ()
    %broadcast_in_dim3A = arith.constant 0.000000e+00 : f32
    %broadcast_in_dim3A_1 = vector.broadcast %broadcast_in_dim3A : f32 to vector<16xf32>
    %scan3A = arith.constant 0 : i32
    %scan3A_2 = arith.constant 0 : i32
    %scan3A_3 = arith.constant 640 : i32
    %scan3A_4 = arith.addi %scan3A_2, %scan3A_3 : i32
    %scan3A_5 = arith.constant 1 : i32
    scf.for %scan3A_20 = %scan3A_2 to %scan3A_4 step %scan3A_5  : i32 {
      %swap3A = arith.index_cast %scan3A_20 : i32 to index
      %swap3A_21 = arith.constant 0 : index
      %swap3A_22 = tpu.vector_load %arg15[%swap3A, %swap3A_21] {strides = array<i32>} : memref<640x32xf32, #tpu.memory_space<vmem>>, vector<16xf32>,
      tpu.vector_store %arg15[%swap3A, %swap3A_21], %broadcast_in_dim3A_1 {strides = array<i32>} : memref<640x32xf32, #tpu.memory_space<vmem>>, vector<16xf32>,
      %swap3A_23 = arith.index_cast %scan3A_20 : i32 to index
      %swap3A_24 = arith.constant 16 : index
      %swap3A_25 = tpu.vector_load %arg15[%swap3A_23, %swap3A_24] {strides = array<i32>} : memref<640x32xf32, #tpu.memory_space<vmem>>, vector<16xf32>,
      tpu.vector_store %arg15[%swap3A_23, %swap3A_24], %broadcast_in_dim3A_1 {strides = array<i32>} : memref<640x32xf32, #tpu.memory_space<vmem>>, vector<16xf32>,
    }
    %scan3A_6 = arith.constant 640 : i32
    %mul3A_7 = arith.constant 640 : i32
    %mul3A_8 = arith.muli %arg1, %mul3A_7 : i32
    "tpu.region"() ({
      %run_scoped3A = tpu.sem_alloc : memref<!tpu.dma_semaphore, #tpu.memory_space<semaphore_mem>>
      %dma_start3A = arith.constant 0 : i32
      %dma_start3A_20 = tpu.memref_slice %arg16[%mul3A_8, %dma_start3A] : memref<10240x32xf32, #tpu.memory_space<vmem_shared>> -> memref<640x32xf32, #tpu.memory_space<vmem_shared>>
      %dma_start3A_21 = arith.constant 0 : i32
      %dma_start3A_22 = tpu.memref_slice %arg16[%mul3A_8, %dma_start3A_21] : memref<10240x32xf32, #tpu.memory_space<vmem_shared>> -> memref<640x32xf32, #tpu.memory_space<vmem_shared>>
      tpu.enqueue_dma source(%arg15 : memref<640x32xf32, #tpu.memory_space<vmem>>) target(%dma_start3A_22 : memref<640x32xf32, #tpu.memory_space<vmem_shared>>) target_semaphore(%run_scoped3A : memref<!tpu.dma_semaphore, #tpu.memory_space<semaphore_mem>>)
      %dma_wait3A = arith.constant 0 : i32
      %dma_wait3A_23 = tpu.memref_slice %arg16[%mul3A_8, %dma_wait3A] : memref<10240x32xf32, #tpu.memory_space<vmem_shared>> -> memref<640x32xf32, #tpu.memory_space<vmem_shared>>
      %dma_wait3A_24 = arith.constant 0 : i32
      %dma_wait3A_25 = tpu.memref_slice %arg16[%mul3A_8, %dma_wait3A_24] : memref<10240x32xf32, #tpu.memory_space<vmem_shared>> -> memref<640x32xf32, #tpu.memory_space<vmem_shared>>
      tpu.wait_dma2 semaphore(%run_scoped3A : memref<!tpu.dma_semaphore, #tpu.memory_space<semaphore_mem>>) src(%arg15 : memref<640x32xf32, #tpu.memory_space<vmem>>) dst(%dma_wait3A_25 : memref<640x32xf32, #tpu.memory_space<vmem_shared>>)
      tpu.yield
    }) : () -> ()
    %barrier3A = arith.constant 0 : index
    tpu.barrier barrier_id(%barrier3A)
    %scan3A_9 = arith.constant 0 : i32
    %scan3A_10 = arith.constant 0 : i32
    %scan3A_11 = arith.constant 125 : i32
    %scan3A_12 = arith.addi %scan3A_10, %scan3A_11 : i32
    %scan3A_13 = arith.constant 1 : i32
    scf.for %scan3A_20 = %scan3A_10 to %scan3A_12 step %scan3A_13  : i32 {
      %dma_start3A = arith.constant 0 : i32
      %dma_start3A_21 = tpu.memref_slice %arg8[%scan3A_20, %dma_start3A] : memref<125x80xi32, #tpu.memory_space<vmem>> -> memref<1x80xi32, #tpu.memory_space<vmem>>
      %dma_start3A_22 = tpu.memref_squeeze %dma_start3A_21 : memref<1x80xi32, #tpu.memory_space<vmem>> -> memref<80xi32, #tpu.memory_space<vmem>>
      %dma_start3A_23 = arith.constant 0 : i32
      %dma_start3A_24 = arith.constant 0 : i32
      %dma_start3A_25 = tpu.memref_slice %arg2[%dma_start3A_23, %dma_start3A_24] : memref<20480x32xf32, #tpu.memory_space<hbm>> -> memref<20480x32xf32, #tpu.memory_space<hbm>>
      tpu.enqueue_indirect_dma source(%dma_start3A_25 : memref<20480x32xf32, #tpu.memory_space<hbm>>) target(%arg12 : memref<80x32xf32, #tpu.memory_space<vmem>>) offsets(%dma_start3A_22 : memref<80xi32, #tpu.memory_space<vmem>>) semaphore(%arg17 : memref<!tpu.dma_semaphore, #tpu.memory_space<semaphore_mem>>)
      %dma_start3A_26 = arith.constant 0 : i32
      %dma_start3A_27 = tpu.memref_slice %arg9[%scan3A_20, %dma_start3A_26] : memref<125x80xi32, #tpu.memory_space<vmem>> -> memref<1x80xi32, #tpu.memory_space<vmem>>
      %dma_start3A_28 = tpu.memref_squeeze %dma_start3A_27 : memref<1x80xi32, #tpu.memory_space<vmem>> -> memref<80xi32, #tpu.memory_space<vmem>>
      %dma_start3A_29 = arith.constant 0 : i32
      %dma_start3A_30 = arith.constant 0 : i32
      %dma_start3A_31 = tpu.memref_slice %arg2[%dma_start3A_29, %dma_start3A_30] : memref<20480x32xf32, #tpu.memory_space<hbm>> -> memref<20480x32xf32, #tpu.memory_space<hbm>>
      tpu.enqueue_indirect_dma source(%dma_start3A_31 : memref<20480x32xf32, #tpu.memory_space<hbm>>) target(%arg13 : memref<80x32xf32, #tpu.memory_space<vmem>>) offsets(%dma_start3A_28 : memref<80xi32, #tpu.memory_space<vmem>>) semaphore(%arg17 : memref<!tpu.dma_semaphore, #tpu.memory_space<semaphore_mem>>)
      %dma_wait3A = arith.constant 0 : i32
      %dma_wait3A_32 = tpu.memref_slice %arg8[%scan3A_20, %dma_wait3A] : memref<125x80xi32, #tpu.memory_space<vmem>> -> memref<1x80xi32, #tpu.memory_space<vmem>>
      %dma_wait3A_33 = tpu.memref_squeeze %dma_wait3A_32 : memref<1x80xi32, #tpu.memory_space<vmem>> -> memref<80xi32, #tpu.memory_space<vmem>>
      %dma_wait3A_34 = arith.constant 0 : i32
      %dma_wait3A_35 = arith.constant 0 : i32
      %dma_wait3A_36 = tpu.memref_slice %arg2[%dma_wait3A_34, %dma_wait3A_35] : memref<20480x32xf32, #tpu.memory_space<hbm>> -> memref<20480x32xf32, #tpu.memory_space<hbm>>
      tpu.wait_indirect_dma semaphore(%arg17 : memref<!tpu.dma_semaphore, #tpu.memory_space<semaphore_mem>>) src(%dma_wait3A_36 : memref<20480x32xf32, #tpu.memory_space<hbm>>) dst(%arg12 : memref<80x32xf32, #tpu.memory_space<vmem>>)
      %dma_wait3A_37 = arith.constant 0 : i32
      %dma_wait3A_38 = tpu.memref_slice %arg9[%scan3A_20, %dma_wait3A_37] : memref<125x80xi32, #tpu.memory_space<vmem>> -> memref<1x80xi32, #tpu.memory_space<vmem>>
      %dma_wait3A_39 = tpu.memref_squeeze %dma_wait3A_38 : memref<1x80xi32, #tpu.memory_space<vmem>> -> memref<80xi32, #tpu.memory_space<vmem>>
      %dma_wait3A_40 = arith.constant 0 : i32
      %dma_wait3A_41 = arith.constant 0 : i32
      %dma_wait3A_42 = tpu.memref_slice %arg2[%dma_wait3A_40, %dma_wait3A_41] : memref<20480x32xf32, #tpu.memory_space<hbm>> -> memref<20480x32xf32, #tpu.memory_space<hbm>>
      tpu.wait_indirect_dma semaphore(%arg17 : memref<!tpu.dma_semaphore, #tpu.memory_space<semaphore_mem>>) src(%dma_wait3A_42 : memref<20480x32xf32, #tpu.memory_space<hbm>>) dst(%arg13 : memref<80x32xf32, #tpu.memory_space<vmem>>)
      %mul3A_43 = arith.constant 80 : i32
      %mul3A_44 = arith.muli %scan3A_20, %mul3A_43 : i32
      %broadcast_in_dim3A_45 = vector.broadcast %mul3A_44 : i32 to vector<16xi32>
      %scan3A_46 = arith.constant 0 : i32
      %scan3A_47 = arith.constant 0 : i32
      %scan3A_48 = arith.constant 80 : i32
      %scan3A_49 = arith.addi %scan3A_47, %scan3A_48 : i32
      %scan3A_50 = arith.constant 1 : i32
      scf.for %scan3A_52 = %scan3A_47 to %scan3A_49 step %scan3A_50  : i32 {
        %add3A_53 = vector.broadcast %scan3A_52 : i32 to vector<16xi32>
        %add3A_54 = arith.addi %broadcast_in_dim3A_45, %add3A_53 : vector<16xi32>
        %gather3A = tpu.vector_load_idx %arg11[%add3A_54] : memref<10000xf32, #tpu.memory_space<vmem>>[vector<16xi32>], vector<16xf32>,
        %get3A = arith.index_cast %scan3A_52 : i32 to index
        %get3A_55 = arith.constant 0 : index
        %get3A_56 = tpu.vector_load %arg12[%get3A, %get3A_55] {strides = array<i32>} : memref<80x32xf32, #tpu.memory_space<vmem>>, vector<16xf32>,
        %get3A_57 = arith.index_cast %scan3A_52 : i32 to index
        %get3A_58 = arith.constant 0 : index
        %get3A_59 = tpu.vector_load %arg13[%get3A_57, %get3A_58] {strides = array<i32>} : memref<80x32xf32, #tpu.memory_space<vmem>>, vector<16xf32>,
        %add3A_60 = arith.addf %get3A_56, %get3A_59 : vector<16xf32>
        %get3A_61 = arith.index_cast %scan3A_52 : i32 to index
        %get3A_62 = arith.constant 16 : index
        %get3A_63 = tpu.vector_load %arg12[%get3A_61, %get3A_62] {strides = array<i32>} : memref<80x32xf32, #tpu.memory_space<vmem>>, vector<16xf32>,
        %get3A_64 = arith.index_cast %scan3A_52 : i32 to index
        %get3A_65 = arith.constant 16 : index
        %get3A_66 = tpu.vector_load %arg13[%get3A_64, %get3A_65] {strides = array<i32>} : memref<80x32xf32, #tpu.memory_space<vmem>>, vector<16xf32>,
        %add3A_67 = arith.addf %get3A_63, %get3A_66 : vector<16xf32>
        %mul3A_68 = arith.mulf %gather3A, %add3A_60 : vector<16xf32>
        %swap3A = arith.index_cast %scan3A_52 : i32 to index
        %swap3A_69 = arith.constant 0 : index
        %swap3A_70 = tpu.vector_load %arg14[%swap3A, %swap3A_69] {strides = array<i32>} : memref<80x32xf32, #tpu.memory_space<vmem>>, vector<16xf32>,
        tpu.vector_store %arg14[%swap3A, %swap3A_69], %mul3A_68 {strides = array<i32>} : memref<80x32xf32, #tpu.memory_space<vmem>>, vector<16xf32>,
        %mul3A_71 = arith.mulf %gather3A, %gather3A : vector<16xf32>
        %exp3A = math.exp %add3A_67 : vector<16xf32>
        %mul3A_72 = arith.mulf %mul3A_71, %exp3A : vector<16xf32>
        %swap3A_73 = arith.index_cast %scan3A_52 : i32 to index
        %swap3A_74 = arith.constant 16 : index
        %swap3A_75 = tpu.vector_load %arg14[%swap3A_73, %swap3A_74] {strides = array<i32>} : memref<80x32xf32, #tpu.memory_space<vmem>>, vector<16xf32>,
        tpu.vector_store %arg14[%swap3A_73, %swap3A_74], %mul3A_72 {strides = array<i32>} : memref<80x32xf32, #tpu.memory_space<vmem>>, vector<16xf32>,
      }
      %scan3A_51 = arith.constant 80 : i32
      "tpu.region"() ({
        %run_scoped3A = tpu.sem_alloc : memref<!tpu.dma_semaphore, #tpu.memory_space<semaphore_mem>>
        %dma_start3A_52 = arith.constant 0 : i32
        %dma_start3A_53 = tpu.memref_slice %arg10[%scan3A_20, %dma_start3A_52] : memref<125x80xi32, #tpu.memory_space<vmem>> -> memref<1x80xi32, #tpu.memory_space<vmem>>
        %dma_start3A_54 = tpu.memref_squeeze %dma_start3A_53 : memref<1x80xi32, #tpu.memory_space<vmem>> -> memref<80xi32, #tpu.memory_space<vmem>>
        %dma_start3A_55 = arith.constant 0 : i32
        %dma_start3A_56 = arith.constant 0 : i32
        %dma_start3A_57 = tpu.memref_slice %arg16[%dma_start3A_55, %dma_start3A_56] : memref<10240x32xf32, #tpu.memory_space<vmem_shared>> -> memref<10240x32xf32, #tpu.memory_space<vmem_shared>>
        tpu.enqueue_indirect_dma source(%arg14 : memref<80x32xf32, #tpu.memory_space<vmem>>) target(%dma_start3A_57 : memref<10240x32xf32, #tpu.memory_space<vmem_shared>>) offsets(%dma_start3A_54 : memref<80xi32, #tpu.memory_space<vmem>>) semaphore(%run_scoped3A : memref<!tpu.dma_semaphore, #tpu.memory_space<semaphore_mem>>) {add = true}
        %dma_wait3A_58 = arith.constant 0 : i32
        %dma_wait3A_59 = tpu.memref_slice %arg10[%scan3A_20, %dma_wait3A_58] : memref<125x80xi32, #tpu.memory_space<vmem>> -> memref<1x80xi32, #tpu.memory_space<vmem>>
        %dma_wait3A_60 = tpu.memref_squeeze %dma_wait3A_59 : memref<1x80xi32, #tpu.memory_space<vmem>> -> memref<80xi32, #tpu.memory_space<vmem>>
        %dma_wait3A_61 = arith.constant 0 : i32
        %dma_wait3A_62 = arith.constant 0 : i32
        %dma_wait3A_63 = tpu.memref_slice %arg16[%dma_wait3A_61, %dma_wait3A_62] : memref<10240x32xf32, #tpu.memory_space<vmem_shared>> -> memref<10240x32xf32, #tpu.memory_space<vmem_shared>>
        tpu.wait_indirect_dma semaphore(%run_scoped3A : memref<!tpu.dma_semaphore, #tpu.memory_space<semaphore_mem>>) src(%arg14 : memref<80x32xf32, #tpu.memory_space<vmem>>) dst(%dma_wait3A_63 : memref<10240x32xf32, #tpu.memory_space<vmem_shared>>)
        tpu.yield
      }) : () -> ()
    }
    %scan3A_14 = arith.constant 125 : i32
    %barrier3A_15 = arith.constant 0 : index
    tpu.barrier barrier_id(%barrier3A_15)
    %mul3A_16 = arith.constant 640 : i32
    %mul3A_17 = arith.muli %arg1, %mul3A_16 : i32
    "tpu.region"() ({
      %run_scoped3A = tpu.sem_alloc : memref<!tpu.dma_semaphore, #tpu.memory_space<semaphore_mem>>
      %dma_start3A = arith.constant 0 : i32
      %dma_start3A_20 = tpu.memref_slice %arg16[%mul3A_17, %dma_start3A] : memref<10240x32xf32, #tpu.memory_space<vmem_shared>> -> memref<640x32xf32, #tpu.memory_space<vmem_shared>>
      %dma_start3A_21 = arith.constant 0 : i32
      %dma_start3A_22 = tpu.memref_slice %arg16[%mul3A_17, %dma_start3A_21] : memref<10240x32xf32, #tpu.memory_space<vmem_shared>> -> memref<640x32xf32, #tpu.memory_space<vmem_shared>>
      tpu.enqueue_dma source(%dma_start3A_22 : memref<640x32xf32, #tpu.memory_space<vmem_shared>>) target(%arg15 : memref<640x32xf32, #tpu.memory_space<vmem>>) target_semaphore(%run_scoped3A : memref<!tpu.dma_semaphore, #tpu.memory_space<semaphore_mem>>)
      %dma_wait3A = arith.constant 0 : i32
      %dma_wait3A_23 = tpu.memref_slice %arg16[%mul3A_17, %dma_wait3A] : memref<10240x32xf32, #tpu.memory_space<vmem_shared>> -> memref<640x32xf32, #tpu.memory_space<vmem_shared>>
      %dma_wait3A_24 = arith.constant 0 : i32
      %dma_wait3A_25 = tpu.memref_slice %arg16[%mul3A_17, %dma_wait3A_24] : memref<10240x32xf32, #tpu.memory_space<vmem_shared>> -> memref<640x32xf32, #tpu.memory_space<vmem_shared>>
      tpu.wait_dma2 semaphore(%run_scoped3A : memref<!tpu.dma_semaphore, #tpu.memory_space<semaphore_mem>>) src(%dma_wait3A_25 : memref<640x32xf32, #tpu.memory_space<vmem_shared>>) dst(%arg15 : memref<640x32xf32, #tpu.memory_space<vmem>>)
      tpu.yield
    }) : () -> ()
    %mul3A_18 = arith.constant 640 : i32
    %mul3A_19 = arith.muli %arg1, %mul3A_18 : i32
    "tpu.region"() ({
      %run_scoped3A = tpu.sem_alloc : memref<!tpu.dma_semaphore, #tpu.memory_space<semaphore_mem>>
      %dma_start3A = arith.constant 0 : i32
      %dma_start3A_20 = tpu.memref_slice %arg7[%arg0, %mul3A_19, %dma_start3A] : memref<2x10240x32xf32, #tpu.memory_space<hbm>> -> memref<1x640x32xf32, #tpu.memory_space<hbm>>
      %dma_start3A_21 = tpu.memref_squeeze %dma_start3A_20 : memref<1x640x32xf32, #tpu.memory_space<hbm>> -> memref<640x32xf32, #tpu.memory_space<hbm>>
      %dma_start3A_22 = arith.constant 0 : i32
      %dma_start3A_23 = tpu.memref_slice %arg7[%arg0, %mul3A_19, %dma_start3A_22] : memref<2x10240x32xf32, #tpu.memory_space<hbm>> -> memref<1x640x32xf32, #tpu.memory_space<hbm>>
      %dma_start3A_24 = tpu.memref_squeeze %dma_start3A_23 : memref<1x640x32xf32, #tpu.memory_space<hbm>> -> memref<640x32xf32, #tpu.memory_space<hbm>>
      tpu.enqueue_dma source(%arg15 : memref<640x32xf32, #tpu.memory_space<vmem>>) target(%dma_start3A_24 : memref<640x32xf32, #tpu.memory_space<hbm>>) target_semaphore(%run_scoped3A : memref<!tpu.dma_semaphore, #tpu.memory_space<semaphore_mem>>)
      %dma_wait3A = arith.constant 0 : i32
      %dma_wait3A_25 = tpu.memref_slice %arg7[%arg0, %mul3A_19, %dma_wait3A] : memref<2x10240x32xf32, #tpu.memory_space<hbm>> -> memref<1x640x32xf32, #tpu.memory_space<hbm>>
      %dma_wait3A_26 = tpu.memref_squeeze %dma_wait3A_25 : memref<1x640x32xf32, #tpu.memory_space<hbm>> -> memref<640x32xf32, #tpu.memory_space<hbm>>
      %dma_wait3A_27 = arith.constant 0 : i32
      %dma_wait3A_28 = tpu.memref_slice %arg7[%arg0, %mul3A_19, %dma_wait3A_27] : memref<2x10240x32xf32, #tpu.memory_space<hbm>> -> memref<1x640x32xf32, #tpu.memory_space<hbm>>
      %dma_wait3A_29 = tpu.memref_squeeze %dma_wait3A_28 : memref<1x640x32xf32, #tpu.memory_space<hbm>> -> memref<640x32xf32, #tpu.memory_space<hbm>>
      tpu.wait_dma2 semaphore(%run_scoped3A : memref<!tpu.dma_semaphore, #tpu.memory_space<semaphore_mem>>) src(%arg15 : memref<640x32xf32, #tpu.memory_space<vmem>>) dst(%dma_wait3A_29 : memref<640x32xf32, #tpu.memory_space<hbm>>)
      tpu.yield
    }) : () -> ()
    return
  }
}

#map = affine_map<(d0, d1) -> (0, 0)>
#map1 = affine_map<(d0, d1) -> (0, 0, 0)>
module attributes {stable_mosaic.version = 14 : i64} {
  func.func @_edge_body(%arg0: i32, %arg1: i32, %arg2: memref<10240x64xf32, #tpu.memory_space<hbm>>, %arg3: memref<32x125x80xi32, #tpu.memory_space<hbm>>, %arg4: memref<32x125x80xi32, #tpu.memory_space<hbm>>, %arg5: memref<320000x16xf32, #tpu.memory_space<hbm>>, %arg6: memref<320000x16xf32, #tpu.memory_space<hbm>>, %arg7: memref<320000x16xf32, #tpu.memory_space<hbm>>, %arg8: memref<320000x16xf32, #tpu.memory_space<hbm>>, %arg9: memref<125x80xi32, #tpu.memory_space<vmem>>, %arg10: memref<125x80xi32, #tpu.memory_space<vmem>>, %arg11: memref<80x64xf32, #tpu.memory_space<vmem>>, %arg12: memref<80x64xf32, #tpu.memory_space<vmem>>, %arg13: memref<80x16xf32, #tpu.memory_space<vmem>>, %arg14: memref<80x16xf32, #tpu.memory_space<vmem>>, %arg15: memref<80x16xf32, #tpu.memory_space<vmem>>, %arg16: memref<80x16xf32, #tpu.memory_space<vmem>>, %arg17: memref<!tpu.dma_semaphore, #tpu.memory_space<semaphore_mem>>) attributes {dimension_semantics = [#tpu.dimension_semantics<core_parallel>, #tpu.dimension_semantics<subcore_parallel>], iteration_bounds = array<i64: 2, 16>, scalar_prefetch = 0 : i64, scratch_operands = 9 : i64, tpu.core_type = #tpu.core_type<sc_vector_subcore>, window_params = [{transform_indices = #map}, {transform_indices = #map1}, {transform_indices = #map1}, {transform_indices = #map}, {transform_indices = #map}, {transform_indices = #map}, {transform_indices = #map}]} {
    %mul3A = arith.constant 16 : i32
    %mul3A_0 = arith.muli %arg0, %mul3A : i32
    %add3A = arith.addi %mul3A_0, %arg1 : i32
    "tpu.region"() ({
      %run_scoped3A = tpu.sem_alloc : memref<!tpu.dma_semaphore, #tpu.memory_space<semaphore_mem>>
      %dma_start3A = arith.constant 0 : i32
      %dma_start3A_8 = arith.constant 0 : i32
      %dma_start3A_9 = tpu.memref_slice %arg3[%add3A, %dma_start3A, %dma_start3A_8] : memref<32x125x80xi32, #tpu.memory_space<hbm>> -> memref<1x125x80xi32, #tpu.memory_space<hbm>>
      %dma_start3A_10 = tpu.memref_squeeze %dma_start3A_9 : memref<1x125x80xi32, #tpu.memory_space<hbm>> -> memref<125x80xi32, #tpu.memory_space<hbm>>
      %dma_start3A_11 = arith.constant 0 : i32
      %dma_start3A_12 = arith.constant 0 : i32
      %dma_start3A_13 = tpu.memref_slice %arg3[%add3A, %dma_start3A_11, %dma_start3A_12] : memref<32x125x80xi32, #tpu.memory_space<hbm>> -> memref<1x125x80xi32, #tpu.memory_space<hbm>>
      %dma_start3A_14 = tpu.memref_squeeze %dma_start3A_13 : memref<1x125x80xi32, #tpu.memory_space<hbm>> -> memref<125x80xi32, #tpu.memory_space<hbm>>
      tpu.enqueue_dma source(%dma_start3A_14 : memref<125x80xi32, #tpu.memory_space<hbm>>) target(%arg9 : memref<125x80xi32, #tpu.memory_space<vmem>>) target_semaphore(%run_scoped3A : memref<!tpu.dma_semaphore, #tpu.memory_space<semaphore_mem>>)
      %dma_wait3A = arith.constant 0 : i32
      %dma_wait3A_15 = arith.constant 0 : i32
      %dma_wait3A_16 = tpu.memref_slice %arg3[%add3A, %dma_wait3A, %dma_wait3A_15] : memref<32x125x80xi32, #tpu.memory_space<hbm>> -> memref<1x125x80xi32, #tpu.memory_space<hbm>>
      %dma_wait3A_17 = tpu.memref_squeeze %dma_wait3A_16 : memref<1x125x80xi32, #tpu.memory_space<hbm>> -> memref<125x80xi32, #tpu.memory_space<hbm>>
      %dma_wait3A_18 = arith.constant 0 : i32
      %dma_wait3A_19 = arith.constant 0 : i32
      %dma_wait3A_20 = tpu.memref_slice %arg3[%add3A, %dma_wait3A_18, %dma_wait3A_19] : memref<32x125x80xi32, #tpu.memory_space<hbm>> -> memref<1x125x80xi32, #tpu.memory_space<hbm>>
      %dma_wait3A_21 = tpu.memref_squeeze %dma_wait3A_20 : memref<1x125x80xi32, #tpu.memory_space<hbm>> -> memref<125x80xi32, #tpu.memory_space<hbm>>
      tpu.wait_dma2 semaphore(%run_scoped3A : memref<!tpu.dma_semaphore, #tpu.memory_space<semaphore_mem>>) src(%dma_wait3A_21 : memref<125x80xi32, #tpu.memory_space<hbm>>) dst(%arg9 : memref<125x80xi32, #tpu.memory_space<vmem>>)
      tpu.yield
    }) : () -> ()
    "tpu.region"() ({
      %run_scoped3A = tpu.sem_alloc : memref<!tpu.dma_semaphore, #tpu.memory_space<semaphore_mem>>
      %dma_start3A = arith.constant 0 : i32
      %dma_start3A_8 = arith.constant 0 : i32
      %dma_start3A_9 = tpu.memref_slice %arg4[%add3A, %dma_start3A, %dma_start3A_8] : memref<32x125x80xi32, #tpu.memory_space<hbm>> -> memref<1x125x80xi32, #tpu.memory_space<hbm>>
      %dma_start3A_10 = tpu.memref_squeeze %dma_start3A_9 : memref<1x125x80xi32, #tpu.memory_space<hbm>> -> memref<125x80xi32, #tpu.memory_space<hbm>>
      %dma_start3A_11 = arith.constant 0 : i32
      %dma_start3A_12 = arith.constant 0 : i32
      %dma_start3A_13 = tpu.memref_slice %arg4[%add3A, %dma_start3A_11, %dma_start3A_12] : memref<32x125x80xi32, #tpu.memory_space<hbm>> -> memref<1x125x80xi32, #tpu.memory_space<hbm>>
      %dma_start3A_14 = tpu.memref_squeeze %dma_start3A_13 : memref<1x125x80xi32, #tpu.memory_space<hbm>> -> memref<125x80xi32, #tpu.memory_space<hbm>>
      tpu.enqueue_dma source(%dma_start3A_14 : memref<125x80xi32, #tpu.memory_space<hbm>>) target(%arg10 : memref<125x80xi32, #tpu.memory_space<vmem>>) target_semaphore(%run_scoped3A : memref<!tpu.dma_semaphore, #tpu.memory_space<semaphore_mem>>)
      %dma_wait3A = arith.constant 0 : i32
      %dma_wait3A_15 = arith.constant 0 : i32
      %dma_wait3A_16 = tpu.memref_slice %arg4[%add3A, %dma_wait3A, %dma_wait3A_15] : memref<32x125x80xi32, #tpu.memory_space<hbm>> -> memref<1x125x80xi32, #tpu.memory_space<hbm>>
      %dma_wait3A_17 = tpu.memref_squeeze %dma_wait3A_16 : memref<1x125x80xi32, #tpu.memory_space<hbm>> -> memref<125x80xi32, #tpu.memory_space<hbm>>
      %dma_wait3A_18 = arith.constant 0 : i32
      %dma_wait3A_19 = arith.constant 0 : i32
      %dma_wait3A_20 = tpu.memref_slice %arg4[%add3A, %dma_wait3A_18, %dma_wait3A_19] : memref<32x125x80xi32, #tpu.memory_space<hbm>> -> memref<1x125x80xi32, #tpu.memory_space<hbm>>
      %dma_wait3A_21 = tpu.memref_squeeze %dma_wait3A_20 : memref<1x125x80xi32, #tpu.memory_space<hbm>> -> memref<125x80xi32, #tpu.memory_space<hbm>>
      tpu.wait_dma2 semaphore(%run_scoped3A : memref<!tpu.dma_semaphore, #tpu.memory_space<semaphore_mem>>) src(%dma_wait3A_21 : memref<125x80xi32, #tpu.memory_space<hbm>>) dst(%arg10 : memref<125x80xi32, #tpu.memory_space<vmem>>)
      tpu.yield
    }) : () -> ()
    %mul3A_1 = arith.constant 10000 : i32
    %mul3A_2 = arith.muli %add3A, %mul3A_1 : i32
    %scan3A = arith.constant 0 : i32
    %scan3A_3 = arith.constant 0 : i32
    %scan3A_4 = arith.constant 125 : i32
    %scan3A_5 = arith.addi %scan3A_3, %scan3A_4 : i32
    %scan3A_6 = arith.constant 1 : i32
    scf.for %scan3A_8 = %scan3A_3 to %scan3A_5 step %scan3A_6  : i32 {
      %dma_start3A = arith.constant 0 : i32
      %dma_start3A_9 = tpu.memref_slice %arg9[%scan3A_8, %dma_start3A] : memref<125x80xi32, #tpu.memory_space<vmem>> -> memref<1x80xi32, #tpu.memory_space<vmem>>
      %dma_start3A_10 = tpu.memref_squeeze %dma_start3A_9 : memref<1x80xi32, #tpu.memory_space<vmem>> -> memref<80xi32, #tpu.memory_space<vmem>>
      %dma_start3A_11 = arith.constant 0 : i32
      %dma_start3A_12 = arith.constant 0 : i32
      %dma_start3A_13 = tpu.memref_slice %arg2[%dma_start3A_11, %dma_start3A_12] : memref<10240x64xf32, #tpu.memory_space<hbm>> -> memref<10240x64xf32, #tpu.memory_space<hbm>>
      tpu.enqueue_indirect_dma source(%dma_start3A_13 : memref<10240x64xf32, #tpu.memory_space<hbm>>) target(%arg11 : memref<80x64xf32, #tpu.memory_space<vmem>>) offsets(%dma_start3A_10 : memref<80xi32, #tpu.memory_space<vmem>>) semaphore(%arg17 : memref<!tpu.dma_semaphore, #tpu.memory_space<semaphore_mem>>)
      %dma_start3A_14 = arith.constant 0 : i32
      %dma_start3A_15 = tpu.memref_slice %arg10[%scan3A_8, %dma_start3A_14] : memref<125x80xi32, #tpu.memory_space<vmem>> -> memref<1x80xi32, #tpu.memory_space<vmem>>
      %dma_start3A_16 = tpu.memref_squeeze %dma_start3A_15 : memref<1x80xi32, #tpu.memory_space<vmem>> -> memref<80xi32, #tpu.memory_space<vmem>>
      %dma_start3A_17 = arith.constant 0 : i32
      %dma_start3A_18 = arith.constant 0 : i32
      %dma_start3A_19 = tpu.memref_slice %arg2[%dma_start3A_17, %dma_start3A_18] : memref<10240x64xf32, #tpu.memory_space<hbm>> -> memref<10240x64xf32, #tpu.memory_space<hbm>>
      tpu.enqueue_indirect_dma source(%dma_start3A_19 : memref<10240x64xf32, #tpu.memory_space<hbm>>) target(%arg12 : memref<80x64xf32, #tpu.memory_space<vmem>>) offsets(%dma_start3A_16 : memref<80xi32, #tpu.memory_space<vmem>>) semaphore(%arg17 : memref<!tpu.dma_semaphore, #tpu.memory_space<semaphore_mem>>)
      %mul3A_20 = arith.constant 80 : i32
      %mul3A_21 = arith.muli %scan3A_8, %mul3A_20 : i32
      %add3A_22 = arith.addi %mul3A_2, %mul3A_21 : i32
      "tpu.region"() ({
        %run_scoped3A = tpu.sem_alloc : memref<!tpu.dma_semaphore, #tpu.memory_space<semaphore_mem>>
        %dma_start3A_40 = arith.constant 0 : i32
        %dma_start3A_41 = tpu.memref_slice %arg5[%add3A_22, %dma_start3A_40] : memref<320000x16xf32, #tpu.memory_space<hbm>> -> memref<80x16xf32, #tpu.memory_space<hbm>>
        %dma_start3A_42 = arith.constant 0 : i32
        %dma_start3A_43 = tpu.memref_slice %arg5[%add3A_22, %dma_start3A_42] : memref<320000x16xf32, #tpu.memory_space<hbm>> -> memref<80x16xf32, #tpu.memory_space<hbm>>
        tpu.enqueue_dma source(%dma_start3A_43 : memref<80x16xf32, #tpu.memory_space<hbm>>) target(%arg13 : memref<80x16xf32, #tpu.memory_space<vmem>>) target_semaphore(%run_scoped3A : memref<!tpu.dma_semaphore, #tpu.memory_space<semaphore_mem>>)
        %dma_wait3A_44 = arith.constant 0 : i32
        %dma_wait3A_45 = tpu.memref_slice %arg5[%add3A_22, %dma_wait3A_44] : memref<320000x16xf32, #tpu.memory_space<hbm>> -> memref<80x16xf32, #tpu.memory_space<hbm>>
        %dma_wait3A_46 = arith.constant 0 : i32
        %dma_wait3A_47 = tpu.memref_slice %arg5[%add3A_22, %dma_wait3A_46] : memref<320000x16xf32, #tpu.memory_space<hbm>> -> memref<80x16xf32, #tpu.memory_space<hbm>>
        tpu.wait_dma2 semaphore(%run_scoped3A : memref<!tpu.dma_semaphore, #tpu.memory_space<semaphore_mem>>) src(%dma_wait3A_47 : memref<80x16xf32, #tpu.memory_space<hbm>>) dst(%arg13 : memref<80x16xf32, #tpu.memory_space<vmem>>)
        tpu.yield
      }) : () -> ()
      "tpu.region"() ({
        %run_scoped3A = tpu.sem_alloc : memref<!tpu.dma_semaphore, #tpu.memory_space<semaphore_mem>>
        %dma_start3A_40 = arith.constant 0 : i32
        %dma_start3A_41 = tpu.memref_slice %arg6[%add3A_22, %dma_start3A_40] : memref<320000x16xf32, #tpu.memory_space<hbm>> -> memref<80x16xf32, #tpu.memory_space<hbm>>
        %dma_start3A_42 = arith.constant 0 : i32
        %dma_start3A_43 = tpu.memref_slice %arg6[%add3A_22, %dma_start3A_42] : memref<320000x16xf32, #tpu.memory_space<hbm>> -> memref<80x16xf32, #tpu.memory_space<hbm>>
        tpu.enqueue_dma source(%dma_start3A_43 : memref<80x16xf32, #tpu.memory_space<hbm>>) target(%arg14 : memref<80x16xf32, #tpu.memory_space<vmem>>) target_semaphore(%run_scoped3A : memref<!tpu.dma_semaphore, #tpu.memory_space<semaphore_mem>>)
        %dma_wait3A_44 = arith.constant 0 : i32
        %dma_wait3A_45 = tpu.memref_slice %arg6[%add3A_22, %dma_wait3A_44] : memref<320000x16xf32, #tpu.memory_space<hbm>> -> memref<80x16xf32, #tpu.memory_space<hbm>>
        %dma_wait3A_46 = arith.constant 0 : i32
        %dma_wait3A_47 = tpu.memref_slice %arg6[%add3A_22, %dma_wait3A_46] : memref<320000x16xf32, #tpu.memory_space<hbm>> -> memref<80x16xf32, #tpu.memory_space<hbm>>
        tpu.wait_dma2 semaphore(%run_scoped3A : memref<!tpu.dma_semaphore, #tpu.memory_space<semaphore_mem>>) src(%dma_wait3A_47 : memref<80x16xf32, #tpu.memory_space<hbm>>) dst(%arg14 : memref<80x16xf32, #tpu.memory_space<vmem>>)
        tpu.yield
      }) : () -> ()
      %dma_wait3A = arith.constant 0 : i32
      %dma_wait3A_23 = tpu.memref_slice %arg9[%scan3A_8, %dma_wait3A] : memref<125x80xi32, #tpu.memory_space<vmem>> -> memref<1x80xi32, #tpu.memory_space<vmem>>
      %dma_wait3A_24 = tpu.memref_squeeze %dma_wait3A_23 : memref<1x80xi32, #tpu.memory_space<vmem>> -> memref<80xi32, #tpu.memory_space<vmem>>
      %dma_wait3A_25 = arith.constant 0 : i32
      %dma_wait3A_26 = arith.constant 0 : i32
      %dma_wait3A_27 = tpu.memref_slice %arg2[%dma_wait3A_25, %dma_wait3A_26] : memref<10240x64xf32, #tpu.memory_space<hbm>> -> memref<10240x64xf32, #tpu.memory_space<hbm>>
      tpu.wait_indirect_dma semaphore(%arg17 : memref<!tpu.dma_semaphore, #tpu.memory_space<semaphore_mem>>) src(%dma_wait3A_27 : memref<10240x64xf32, #tpu.memory_space<hbm>>) dst(%arg11 : memref<80x64xf32, #tpu.memory_space<vmem>>)
      %dma_wait3A_28 = arith.constant 0 : i32
      %dma_wait3A_29 = tpu.memref_slice %arg10[%scan3A_8, %dma_wait3A_28] : memref<125x80xi32, #tpu.memory_space<vmem>> -> memref<1x80xi32, #tpu.memory_space<vmem>>
      %dma_wait3A_30 = tpu.memref_squeeze %dma_wait3A_29 : memref<1x80xi32, #tpu.memory_space<vmem>> -> memref<80xi32, #tpu.memory_space<vmem>>
      %dma_wait3A_31 = arith.constant 0 : i32
      %dma_wait3A_32 = arith.constant 0 : i32
      %dma_wait3A_33 = tpu.memref_slice %arg2[%dma_wait3A_31, %dma_wait3A_32] : memref<10240x64xf32, #tpu.memory_space<hbm>> -> memref<10240x64xf32, #tpu.memory_space<hbm>>
      tpu.wait_indirect_dma semaphore(%arg17 : memref<!tpu.dma_semaphore, #tpu.memory_space<semaphore_mem>>) src(%dma_wait3A_33 : memref<10240x64xf32, #tpu.memory_space<hbm>>) dst(%arg12 : memref<80x64xf32, #tpu.memory_space<vmem>>)
      %scan3A_34 = arith.constant 0 : i32
      %scan3A_35 = arith.constant 0 : i32
      %scan3A_36 = arith.constant 80 : i32
      %scan3A_37 = arith.addi %scan3A_35, %scan3A_36 : i32
      %scan3A_38 = arith.constant 1 : i32
      scf.for %scan3A_40 = %scan3A_35 to %scan3A_37 step %scan3A_38  : i32 {
        %get3A = arith.index_cast %scan3A_40 : i32 to index
        %get3A_41 = arith.constant 0 : index
        %get3A_42 = tpu.vector_load %arg11[%get3A, %get3A_41] {strides = array<i32>} : memref<80x64xf32, #tpu.memory_space<vmem>>, vector<16xf32>,
        %get3A_43 = arith.index_cast %scan3A_40 : i32 to index
        %get3A_44 = arith.constant 16 : index
        %get3A_45 = tpu.vector_load %arg11[%get3A_43, %get3A_44] {strides = array<i32>} : memref<80x64xf32, #tpu.memory_space<vmem>>, vector<16xf32>,
        %get3A_46 = arith.index_cast %scan3A_40 : i32 to index
        %get3A_47 = arith.constant 32 : index
        %get3A_48 = tpu.vector_load %arg11[%get3A_46, %get3A_47] {strides = array<i32>} : memref<80x64xf32, #tpu.memory_space<vmem>>, vector<16xf32>,
        %get3A_49 = arith.index_cast %scan3A_40 : i32 to index
        %get3A_50 = arith.constant 48 : index
        %get3A_51 = tpu.vector_load %arg11[%get3A_49, %get3A_50] {strides = array<i32>} : memref<80x64xf32, #tpu.memory_space<vmem>>, vector<16xf32>,
        %get3A_52 = arith.index_cast %scan3A_40 : i32 to index
        %get3A_53 = arith.constant 0 : index
        %get3A_54 = tpu.vector_load %arg12[%get3A_52, %get3A_53] {strides = array<i32>} : memref<80x64xf32, #tpu.memory_space<vmem>>, vector<16xf32>,
        %get3A_55 = arith.index_cast %scan3A_40 : i32 to index
        %get3A_56 = arith.constant 16 : index
        %get3A_57 = tpu.vector_load %arg12[%get3A_55, %get3A_56] {strides = array<i32>} : memref<80x64xf32, #tpu.memory_space<vmem>>, vector<16xf32>,
        %get3A_58 = arith.index_cast %scan3A_40 : i32 to index
        %get3A_59 = arith.constant 32 : index
        %get3A_60 = tpu.vector_load %arg12[%get3A_58, %get3A_59] {strides = array<i32>} : memref<80x64xf32, #tpu.memory_space<vmem>>, vector<16xf32>,
        %get3A_61 = arith.index_cast %scan3A_40 : i32 to index
        %get3A_62 = arith.constant 48 : index
        %get3A_63 = tpu.vector_load %arg12[%get3A_61, %get3A_62] {strides = array<i32>} : memref<80x64xf32, #tpu.memory_space<vmem>>, vector<16xf32>,
        %get3A_64 = arith.index_cast %scan3A_40 : i32 to index
        %get3A_65 = arith.constant 0 : index
        %get3A_66 = tpu.vector_load %arg13[%get3A_64, %get3A_65] {strides = array<i32>} : memref<80x16xf32, #tpu.memory_space<vmem>>, vector<16xf32>,
        %add3A_67 = arith.addf %get3A_45, %get3A_63 : vector<16xf32>
        %exp3A = math.exp %add3A_67 : vector<16xf32>
        %mul3A_68 = arith.mulf %get3A_66, %exp3A : vector<16xf32>
        %add3A_69 = arith.addf %get3A_42, %get3A_60 : vector<16xf32>
        %add3A_70 = arith.addf %mul3A_68, %add3A_69 : vector<16xf32>
        %swap3A = arith.index_cast %scan3A_40 : i32 to index
        %swap3A_71 = arith.constant 0 : index
        %swap3A_72 = tpu.vector_load %arg15[%swap3A, %swap3A_71] {strides = array<i32>} : memref<80x16xf32, #tpu.memory_space<vmem>>, vector<16xf32>,
        tpu.vector_store %arg15[%swap3A, %swap3A_71], %add3A_70 {strides = array<i32>} : memref<80x16xf32, #tpu.memory_space<vmem>>, vector<16xf32>,
        %get3A_73 = arith.index_cast %scan3A_40 : i32 to index
        %get3A_74 = arith.constant 0 : index
        %get3A_75 = tpu.vector_load %arg14[%get3A_73, %get3A_74] {strides = array<i32>} : memref<80x16xf32, #tpu.memory_space<vmem>>, vector<16xf32>,
        %add3A_76 = arith.addf %get3A_57, %get3A_51 : vector<16xf32>
        %exp3A_77 = math.exp %add3A_76 : vector<16xf32>
        %mul3A_78 = arith.mulf %get3A_75, %exp3A_77 : vector<16xf32>
        %add3A_79 = arith.addf %get3A_54, %get3A_48 : vector<16xf32>
        %add3A_80 = arith.addf %mul3A_78, %add3A_79 : vector<16xf32>
        %swap3A_81 = arith.index_cast %scan3A_40 : i32 to index
        %swap3A_82 = arith.constant 0 : index
        %swap3A_83 = tpu.vector_load %arg16[%swap3A_81, %swap3A_82] {strides = array<i32>} : memref<80x16xf32, #tpu.memory_space<vmem>>, vector<16xf32>,
        tpu.vector_store %arg16[%swap3A_81, %swap3A_82], %add3A_80 {strides = array<i32>} : memref<80x16xf32, #tpu.memory_space<vmem>>, vector<16xf32>,
      }
      %scan3A_39 = arith.constant 80 : i32
      "tpu.region"() ({
        %run_scoped3A = tpu.sem_alloc : memref<!tpu.dma_semaphore, #tpu.memory_space<semaphore_mem>>
        %dma_start3A_40 = arith.constant 0 : i32
        %dma_start3A_41 = tpu.memref_slice %arg7[%add3A_22, %dma_start3A_40] : memref<320000x16xf32, #tpu.memory_space<hbm>> -> memref<80x16xf32, #tpu.memory_space<hbm>>
        %dma_start3A_42 = arith.constant 0 : i32
        %dma_start3A_43 = tpu.memref_slice %arg7[%add3A_22, %dma_start3A_42] : memref<320000x16xf32, #tpu.memory_space<hbm>> -> memref<80x16xf32, #tpu.memory_space<hbm>>
        tpu.enqueue_dma source(%arg15 : memref<80x16xf32, #tpu.memory_space<vmem>>) target(%dma_start3A_43 : memref<80x16xf32, #tpu.memory_space<hbm>>) target_semaphore(%run_scoped3A : memref<!tpu.dma_semaphore, #tpu.memory_space<semaphore_mem>>)
        %dma_wait3A_44 = arith.constant 0 : i32
        %dma_wait3A_45 = tpu.memref_slice %arg7[%add3A_22, %dma_wait3A_44] : memref<320000x16xf32, #tpu.memory_space<hbm>> -> memref<80x16xf32, #tpu.memory_space<hbm>>
        %dma_wait3A_46 = arith.constant 0 : i32
        %dma_wait3A_47 = tpu.memref_slice %arg7[%add3A_22, %dma_wait3A_46] : memref<320000x16xf32, #tpu.memory_space<hbm>> -> memref<80x16xf32, #tpu.memory_space<hbm>>
        tpu.wait_dma2 semaphore(%run_scoped3A : memref<!tpu.dma_semaphore, #tpu.memory_space<semaphore_mem>>) src(%arg15 : memref<80x16xf32, #tpu.memory_space<vmem>>) dst(%dma_wait3A_47 : memref<80x16xf32, #tpu.memory_space<hbm>>)
        tpu.yield
      }) : () -> ()
      "tpu.region"() ({
        %run_scoped3A = tpu.sem_alloc : memref<!tpu.dma_semaphore, #tpu.memory_space<semaphore_mem>>
        %dma_start3A_40 = arith.constant 0 : i32
        %dma_start3A_41 = tpu.memref_slice %arg8[%add3A_22, %dma_start3A_40] : memref<320000x16xf32, #tpu.memory_space<hbm>> -> memref<80x16xf32, #tpu.memory_space<hbm>>
        %dma_start3A_42 = arith.constant 0 : i32
        %dma_start3A_43 = tpu.memref_slice %arg8[%add3A_22, %dma_start3A_42] : memref<320000x16xf32, #tpu.memory_space<hbm>> -> memref<80x16xf32, #tpu.memory_space<hbm>>
        tpu.enqueue_dma source(%arg16 : memref<80x16xf32, #tpu.memory_space<vmem>>) target(%dma_start3A_43 : memref<80x16xf32, #tpu.memory_space<hbm>>) target_semaphore(%run_scoped3A : memref<!tpu.dma_semaphore, #tpu.memory_space<semaphore_mem>>)
        %dma_wait3A_44 = arith.constant 0 : i32
        %dma_wait3A_45 = tpu.memref_slice %arg8[%add3A_22, %dma_wait3A_44] : memref<320000x16xf32, #tpu.memory_space<hbm>> -> memref<80x16xf32, #tpu.memory_space<hbm>>
        %dma_wait3A_46 = arith.constant 0 : i32
        %dma_wait3A_47 = tpu.memref_slice %arg8[%add3A_22, %dma_wait3A_46] : memref<320000x16xf32, #tpu.memory_space<hbm>> -> memref<80x16xf32, #tpu.memory_space<hbm>>
        tpu.wait_dma2 semaphore(%run_scoped3A : memref<!tpu.dma_semaphore, #tpu.memory_space<semaphore_mem>>) src(%arg16 : memref<80x16xf32, #tpu.memory_space<vmem>>) dst(%dma_wait3A_47 : memref<80x16xf32, #tpu.memory_space<hbm>>)
        tpu.yield
      }) : () -> ()
    }
    %scan3A_7 = arith.constant 125 : i32
    return
  }
}

module attributes {stable_mosaic.version = 14 : i64} {
  func.func @_z_body(%arg0: memref<10000x128xf32, #tpu.memory_space<vmem>>, %arg1: memref<128x128xf32, #tpu.memory_space<vmem>>, %arg2: memref<128x64xf32, #tpu.memory_space<vmem>>, %arg3: memref<10000x64xf32, #tpu.memory_space<vmem>>) attributes {dimension_semantics = [], scalar_prefetch = 0 : i64, scratch_operands = 0 : i64, tpu.core_type = #tpu.core_type<tc>} {
    %get3A = arith.constant 0 : index
    %get3A_0 = arith.constant 0 : index
    %get3A_1 = vector.load %arg1[%get3A, %get3A_0] : memref<128x128xf32, #tpu.memory_space<vmem>>, vector<128x128xf32>
    %get3A_2 = arith.constant 0 : index
    %get3A_3 = arith.constant 0 : index
    %get3A_4 = vector.load %arg2[%get3A_2, %get3A_3] : memref<128x64xf32, #tpu.memory_space<vmem>>, vector<128x64xf32>
    %dot_general3A = arith.constant dense<0.000000e+00> : vector<128x64xf32>
    %dot_general3A_5 = tpu.matmul %get3A_1, %get3A_4, %dot_general3A {dimension_numbers = #tpu.dot_dimension_numbers<[1], [0], [0], [1], [0, 0, 1, 1], [], []>, transpose_lhs_hint = false} : vector<128x128xf32>, vector<128x64xf32>, vector<128x64xf32> -> vector<128x64xf32>
    %get3A_6 = arith.constant 0 : index
    %get3A_7 = arith.constant 0 : index
    %get3A_8 = vector.load %arg0[%get3A_6, %get3A_7] : memref<10000x128xf32, #tpu.memory_space<vmem>>, vector<10000x128xf32>
    %dot_general3A_9 = arith.constant dense<0.000000e+00> : vector<10000x64xf32>
    %dot_general3A_10 = tpu.matmul %get3A_8, %dot_general3A_5, %dot_general3A_9 {dimension_numbers = #tpu.dot_dimension_numbers<[1], [0], [0], [1], [0, 0, 1, 1], [], []>, transpose_lhs_hint = false} : vector<10000x128xf32>, vector<128x64xf32>, vector<10000x64xf32> -> vector<10000x64xf32>
    %swap3A = arith.constant 0 : index
    %swap3A_11 = arith.constant 0 : index
    %swap3A_12 = vector.load %arg3[%swap3A, %swap3A_11] : memref<10000x64xf32, #tpu.memory_space<vmem>>, vector<10000x64xf32>
    tpu.vector_store %arg3[%swap3A, %swap3A_11], %dot_general3A_10 {strides = array<i32>} : memref<10000x64xf32, #tpu.memory_space<vmem>>, vector<10000x64xf32>,
    return
  }
}

module attributes {stable_mosaic.version = 14 : i64} {
  func.func @_addp_body(%arg0: memref<2x10240x64xf32, #tpu.memory_space<vmem>>, %arg1: memref<10240x64xf32, #tpu.memory_space<vmem>>) attributes {dimension_semantics = [], scalar_prefetch = 0 : i64, scratch_operands = 0 : i64, tpu.core_type = #tpu.core_type<tc>} {
    %get3A = arith.constant 0 : index
    %get3A_0 = arith.constant 0 : index
    %get3A_1 = arith.constant 0 : index
    %get3A_2 = vector.load %arg0[%get3A, %get3A_0, %get3A_1] : memref<2x10240x64xf32, #tpu.memory_space<vmem>>, vector<1x10240x64xf32>
    %get3A_3 = vector.shape_cast %get3A_2 : vector<1x10240x64xf32> to vector<10240x64xf32>
    %get3A_4 = arith.constant 1 : index
    %get3A_5 = arith.constant 0 : index
    %get3A_6 = arith.constant 0 : index
    %get3A_7 = vector.load %arg0[%get3A_4, %get3A_5, %get3A_6] : memref<2x10240x64xf32, #tpu.memory_space<vmem>>, vector<1x10240x64xf32>
    %get3A_8 = vector.shape_cast %get3A_7 : vector<1x10240x64xf32> to vector<10240x64xf32>
    %add3A = arith.addf %get3A_3, %get3A_8 : vector<10240x64xf32>
    %swap3A = arith.constant 0 : index
    %swap3A_9 = arith.constant 0 : index
    %swap3A_10 = vector.load %arg1[%swap3A, %swap3A_9] : memref<10240x64xf32, #tpu.memory_space<vmem>>, vector<10240x64xf32>
    tpu.vector_store %arg1[%swap3A, %swap3A_9], %add3A {strides = array<i32>} : memref<10240x64xf32, #tpu.memory_space<vmem>>, vector<10240x64xf32>,
    return
  }
}

module attributes {stable_mosaic.version = 14 : i64} {
  func.func @_final_body(%arg0: memref<2x10240x32xf32, #tpu.memory_space<vmem>>, %arg1: memref<10000x16xf32, #tpu.memory_space<vmem>>, %arg2: memref<10000x16xf32, #tpu.memory_space<vmem>>) attributes {dimension_semantics = [], scalar_prefetch = 0 : i64, scratch_operands = 0 : i64, tpu.core_type = #tpu.core_type<tc>} {
    %get3A = arith.constant 0 : index
    %get3A_0 = arith.constant 0 : index
    %get3A_1 = arith.constant 0 : index
    %get3A_2 = vector.load %arg0[%get3A, %get3A_0, %get3A_1] : memref<2x10240x32xf32, #tpu.memory_space<vmem>>, vector<1x10000x16xf32>
    %get3A_3 = vector.shape_cast %get3A_2 : vector<1x10000x16xf32> to vector<10000x16xf32>
    %get3A_4 = arith.constant 1 : index
    %get3A_5 = arith.constant 0 : index
    %get3A_6 = arith.constant 0 : index
    %get3A_7 = vector.load %arg0[%get3A_4, %get3A_5, %get3A_6] : memref<2x10240x32xf32, #tpu.memory_space<vmem>>, vector<1x10000x16xf32>
    %get3A_8 = vector.shape_cast %get3A_7 : vector<1x10000x16xf32> to vector<10000x16xf32>
    %add3A = arith.addf %get3A_3, %get3A_8 : vector<10000x16xf32>
    %get3A_9 = arith.constant 0 : index
    %get3A_10 = arith.constant 0 : index
    %get3A_11 = arith.constant 16 : index
    %get3A_12 = vector.load %arg0[%get3A_9, %get3A_10, %get3A_11] : memref<2x10240x32xf32, #tpu.memory_space<vmem>>, vector<1x10000x16xf32>
    %get3A_13 = vector.shape_cast %get3A_12 : vector<1x10000x16xf32> to vector<10000x16xf32>
    %get3A_14 = arith.constant 1 : index
    %get3A_15 = arith.constant 0 : index
    %get3A_16 = arith.constant 16 : index
    %get3A_17 = vector.load %arg0[%get3A_14, %get3A_15, %get3A_16] : memref<2x10240x32xf32, #tpu.memory_space<vmem>>, vector<1x10000x16xf32>
    %get3A_18 = vector.shape_cast %get3A_17 : vector<1x10000x16xf32> to vector<10000x16xf32>
    %add3A_19 = arith.addf %get3A_13, %get3A_18 : vector<10000x16xf32>
    %get3A_20 = arith.constant 0 : index
    %get3A_21 = arith.constant 0 : index
    %get3A_22 = vector.load %arg1[%get3A_20, %get3A_21] : memref<10000x16xf32, #tpu.memory_space<vmem>>, vector<10000x16xf32>
    %sqrt3A = math.sqrt %add3A_19 : vector<10000x16xf32>
    %mul3A = arith.mulf %get3A_22, %sqrt3A : vector<10000x16xf32>
    %add3A_23 = arith.addf %mul3A, %add3A : vector<10000x16xf32>
    %swap3A = arith.constant 0 : index
    %swap3A_24 = arith.constant 0 : index
    %swap3A_25 = vector.load %arg2[%swap3A, %swap3A_24] : memref<10000x16xf32, #tpu.memory_space<vmem>>, vector<10000x16xf32>
    tpu.vector_store %arg2[%swap3A, %swap3A_24], %add3A_23 {strides = array<i32>} : memref<10000x16xf32, #tpu.memory_space<vmem>>, vector<10000x16xf32>,
    return
  }
}

</mosaic_0001>

<sc_bundles>
// kernel: kernel.11.cloned.1.call-start
scs
__scs_entry_jumppad:
0x0: {  	(pc) =	sbr.rel $0x88, $3  }
0x1: {  	(tag) =	ssettag $0x0;
	lr =	simm.s32 $0x1  }
0x2: {  	[smem:$0x3F98] =	sst lr;
	_ =	strace $0xD0000000  }
0x3: {  	_ = 	snop  }
0x4: {  	_ = 	snop  }
0x5: {  	_ = 	snop  }
0x6: {  	_ = 	snop  }
0x7: {  	_ = 	snop  }
__scs_overlays_trampoline_lowered:
0x8: {  	[smem:$0x3FA7] =	sst s0  }
0x9: {  	[smem:$0x3FA8] =	sst s1  }
0xa: {  	[smem:$0x3FA9] =	sst s2  }
0xb: {  	[smem:$0x3FAA] =	sst s3  }
0xc: {  	[smem:$0x3FAB] =	sst s4  }
0xd: {  	[smem:$0x3FAC] =	sst s5  }
0xe: {  	[smem:$0x3FAD] =	sst s6  }
0xf: {  	[smem:$0x3FAE] =	sst s7  }
0x10: {  	[smem:$0x3FAF] =	sst s8  }
0x11: {  	[smem:$0x3FB0] =	sst s9;
	s0 =	simm.s32 @!p0 $0x0  }
0x12: {  	s1 =	sld [smem:$0x3F96];
	s0 =	simm.s32 @p0 $0x1  }
0x13: {  	[smem:$0x3FB1] =	sst s0;
	s0 =	simm.s32 @!p1 $0x0  }
0x14: {  	s2 =	sld [smem:$0x3F95];
	s0 =	simm.s32 @p1 $0x1  }
0x15: {  	[smem:$0x3FB2] =	sst s0;
	s0 =	simm.s32 @!p2 $0x0  }
0x16: {  	s3 =	sld [smem:$0x3FDB];
	s0 =	simm.s32 @p2 $0x1  }
0x17: {  	s4 =	simm.s32 $0x1BF5;
	[smem:$0x3FB4] =	sst s0  }
0x18: {  	s0 =	sld [smem:$0x3F97];
	_ =	swait.ge [sflag:s4], $0x0  }
0x19: {  	s7 =	sld [smem:$0x3F98]  }
0x1a: {  	s8 =	sadd.s32 $0xFFFFE003, lr  }
0x1b: {  	s9 =	sadd.s32 $0xFFFFFEF7, lr;
	s5 =	simm.s32 $0xFFFFFFFF;
	p2 =	slt.u32 s8, $0xFFFFF086  }
0x1c: {  	p1 =	slt.u32 s9, $0xF7A;
	s5 =	simm.s32 @!p2 $0x0  }
0x1d: {  	s5 =	simm.s32 @p1 $0x1;
	p0 =	seq.s32 s7, s2  }
0x1e: {  	s7 =	smul.u32 @!p0 $0xF7A, s2;
	p2 =	seq.s32 @!p0 s5, $0x0  }
0x1f: {  	s9 =	smul.u32 $0xF7A, s1;
	s8 =	simm.s32 @!p0 $0x1BF5;
	p2 =	por !p2, p0  }
0x20: {  	[sflag:s8] =	ssyncset.s32 @!p0 $0xFFFFF086;
	s6 =	sadd.s32 @!p0 s3, s7;
	s7 =	simm.s32 @!p0 $0x108  }
0x21: {  	s3 =	sadd.s32 s3, s9;
	s6 =	sadd.s32 @!p0 $0x88, s6;
	s7 =	simm.s32 @p2 $0x1082  }
0x22: {  	[simem:s7], [sflag:s8] =	dma.local @!p0 [hbm:s6], $0xF7A  }
0x23: {  	s9 =	sor.u32 $0xD0000000, s2;
	s6 =	simm.s32 $0x108;
	_ =	swait.ge @!p0 [sflag:s8], $0x0  }
0x24: {  	s3 =	sadd.s32 $0x88, s3;
	s6 =	simm.s32 @!p1 $0x1082;
	[sflag:s4] =	ssyncset.s32 $0xFFFFF086  }
0x25: {  	[simem:s6], [sflag:s4] =	dma.local [hbm:s3], $0xF7A  }
0x26: {  	[smem:$0x3F98] =	sst s1;
	(tag) =	ssettag s2;
	_ =	strace s9  }
0x27: {  	s1 =	sld [smem:$0x3FA8]  }
0x28: {  	s2 =	sld [smem:$0x3FA9]  }
0x29: {  	s4 =	sld [smem:$0x3FAB]  }
0x2a: {  	p0 =	seq.s32 s5, $0x0;
	s5 =	sld [smem:$0x3FAC]  }
0x2b: {  	s6 =	sld [smem:$0x3FAD]  }
0x2c: {  	s7 =	sld [smem:$0x3FAE]  }
0x2d: {  	s3 =	simm.s32 $0x108;
	s8 =	sld [smem:$0x3FAF]  }
0x2e: {  	s3 =	simm.s32 @!p0 $0x1082;
	s9 =	sld [smem:$0x3FB0]  }
0x2f: {  	lr =	sadd.s32 s0, s3;
	s0 =	sld [smem:$0x3FA7]  }
0x30: {  	s3 =	sld [smem:$0x3FAA]  }
0x31: {  	[smem:$0x3FB3] =	sst s10  }
0x32: {  	s10 =	sld [smem:$0x3FB1];
	_ =	sdelay $0x3  }
0x33: {  	p0 =	seq.s32 s10, $0x1;
	s10 =	sld [smem:$0x3FB3];
	_ =	sdelay $0x3  }
0x34: {  	[smem:$0x3FB3] =	sst s10  }
0x35: {  	s10 =	sld [smem:$0x3FB2];
	_ =	sdelay $0x3  }
0x36: {  	p1 =	seq.s32 s10, $0x1;
	s10 =	sld [smem:$0x3FB3];
	_ =	sdelay $0x3  }
0x37: {  	[smem:$0x3FB3] =	sst s10  }
0x38: {  	s10 =	sld [smem:$0x3FB4]  }
0x39: {  	_ = 	snop;
	(pc) =	sbr.ind lr, $3  }
0x3a: {  	_ = 	snop  }
0x3b: {  	_ = 	snop  }
0x3c: {  	p2 =	seq.s32 s10, $0x1;
	s10 =	sld [smem:$0x3FB3]  }
0x3d: {  	_ =	shalt  }
0x3e: {  	_ =	shalt  }
0x3f: {  	_ =	shalt  }
0x40: {  	_ =	shalt  }
0x41: {  	_ =	shalt  }
0x42: {  	_ =	shalt  }
0x43: {  	_ =	shalt  }
0x44: {  	_ =	shalt  }
0x45: {  	_ =	shalt  }
0x46: {  	_ =	shalt  }
0x47: {  	_ =	shalt  }
0x48: {  	_ =	shalt  }
0x49: {  	_ =	shalt  }
0x4a: {  	_ =	shalt  }
0x4b: {  	_ =	shalt  }
0x4c: {  	_ =	shalt  }
0x4d: {  	_ =	shalt  }
0x4e: {  	_ =	shalt  }
0x4f: {  	_ =	shalt  }
0x50: {  	_ =	shalt  }
0x51: {  	_ =	shalt  }
0x52: {  	_ =	shalt  }
0x53: {  	_ =	shalt  }
0x54: {  	_ =	shalt  }
0x55: {  	_ =	shalt  }
0x56: {  	_ =	shalt  }
0x57: {  	_ =	shalt  }
0x58: {  	_ =	shalt  }
0x59: {  	_ =	shalt  }
0x5a: {  	_ =	shalt  }
0x5b: {  	_ =	shalt  }
0x5c: {  	_ =	shalt  }
0x5d: {  	_ =	shalt  }
0x5e: {  	_ =	shalt  }
0x5f: {  	_ =	shalt  }
0x60: {  	_ =	shalt  }
0x61: {  	_ =	shalt  }
0x62: {  	_ =	shalt  }
0x63: {  	_ =	shalt  }
0x64: {  	_ =	shalt  }
0x65: {  	_ =	shalt  }
0x66: {  	_ =	shalt  }
0x67: {  	_ =	shalt  }
0x68: {  	_ =	shalt  }
0x69: {  	_ =	shalt  }
0x6a: {  	_ =	shalt  }
0x6b: {  	_ =	shalt  }
0x6c: {  	_ =	shalt  }
0x6d: {  	_ =	shalt  }
0x6e: {  	_ =	shalt  }
0x6f: {  	_ =	shalt  }
0x70: {  	_ =	shalt  }
0x71: {  	_ =	shalt  }
0x72: {  	_ =	shalt  }
0x73: {  	_ =	shalt  }
0x74: {  	_ =	shalt  }
0x75: {  	_ =	shalt  }
0x76: {  	_ =	shalt  }
0x77: {  	_ =	shalt  }
0x78: {  	_ =	shalt  }
0x79: {  	_ =	shalt  }
0x7a: {  	_ =	shalt  }
0x7b: {  	_ =	shalt  }
0x7c: {  	_ =	shalt  }
0x7d: {  	_ =	shalt  }
0x7e: {  	_ =	shalt  }
0x7f: {  	_ =	shalt  }
0x80: {  	_ =	shalt  }
0x81: {  	_ =	shalt  }
0x82: {  	_ =	shalt  }
0x83: {  	_ =	shalt  }
0x84: {  	_ =	shalt  }
0x85: {  	_ =	shalt  }
0x86: {  	_ =	shalt  }
0x87: {  	_ =	shalt  }
.Lfunc_end0:
.L_simem_size_0:
called_computation.1_lowered:
.L_overlay_start_0:
0x88: {  	s2 =	sld [smem:$0x3FD9]  }
0x89: {  	s3 =	sld [smem:$0x3FFE];
	_ =	sdelay $0x1  }
0x8a: {  	s1 =	srdreg.scid  }
0x8b: {  	s0 =	sand.u32 $0x1, s1  }
0x8c: {  	s17 =	sshll.u32 s0, $0xA;
	s2 =	sadd.s32 s3, s2  }
0x8d: {  	s2 =	sadd.s32 s2, s17  }
0x8e: {  	[smem:$0x3FBF] =	sst s2  }
0x8f: {  	_ = 	snop  }
0x90: {  	s18 =	sld [smem:$0x3FC4];
	(tm) =	ssettm $0x1  }
0x91: {  	s19 =	sld [smem:$0x3FFB];
	_ =	sdelay $0x3  }
0x92: {  	_ =	strace s19  }
0x93: {  	s2 =	sld [smem:$0x3FFC];
	_ =	sdelay $0x3  }
0x94: {  	_ =	strace s2  }
0x95: {  	s2 =	sld [smem:$0x3FFD];
	_ =	sdelay $0x3  }
0x96: {  	_ =	strace s2  }
0x97: {  	_ =	strace $0x8FFFFFFF  }
0x98: {  	s20 =	sld [smem:$0x3FDB];
	_ =	sdelay $0x1  }
0x99: {  	s4 =	simm.s32 $_scs_section_size  }
0x9a: {  	s5 =	simm.s32 $_size__tile_overlayer_lowered;
	s6 =	simm.s32 $_tile_overlayer_lowered  }
0x9b: {  	s7 =	simm.s32 $0x1BFF;
	s21 =	sshll.u32 s6, $0x1;
	s4 =	sadd.s32 s4, s20  }
0x9c: {  	s22 =	simm.s32 $0x0;
	s5 =	sshll.u32 s5, $0x1;
	s6 =	sadd.s32 s21, s4  }
0x9d: {  	[timem:s22], [sflag:s7] =	dma.local [hbm:s6], s5  }
0x9e: {  	_ =	swait.ge [sflag:s7], s5  }
0x9f: {  	s5 =	ssub.s32 $0x0, s5;
	[sflag:s7] =	ssyncset.done $0x0  }
0xa0: {  	[sflag:s7] =	ssyncadd.s32 s5;
	_ =	sdelay $0x1  }
0xa1: {  	s23 =	simm.s32 $0x1B8B  }
0xa2: {  	_ =	swait.ge [sflag:s23], $0x1  }
0xa3: {  	[sflag:s23] =	ssyncset.done $0x0  }
0xa4: {  	[sflag:s23] =	ssyncadd.s32 $0xFFFFFFFF  }
0xa5: {  	s5 =	sld [smem:$0x0]  }
0xa6: {  	s6 =	sand.u32 $0xFFFFFFFE, s1  }
0xa7: {  	p0 =	sne.s32 s1, s6  }
0xa8: {  	s6 =	sshll.u32 @p0 s6, $0xE  }
0xa9: {  	s6 =	sadd.s32 @p0 $0x11B8D, s6;
	s7 =	sshll.u32 @p0 s5, $0x11  }
0xaa: {  	s6 =	sor.u32 @p0 s7, s6  }
0xab: {  	[sflag:s6] =	ssyncadd.remote.s32 @p0 $0x1;
	_ =	sdelay $0x1  }
0xac: {  	s6 =	simm.s32 @p0 $0x1B8D  }
0xad: {  	_ =	swait.eq @p0 [sflag:s6], $0x1  }
0xae: {  	[sflag:s6] =	ssyncadd.s32 @p0 $0xFFFFFFFF  }
0xaf: {  	s7 =	sshll.u32 @!p0 s1, $0xE  }
0xb0: {  	s7 =	sor.u32 @!p0 $0x4000, s7;
	s6 =	simm.s32 @!p0 $0x1B8D  }
0xb1: {  	s5 =	sshll.u32 @!p0 s5, $0x11;
	s7 =	sadd.s32 @!p0 $0x11B8D, s7;
	_ =	swait.eq @!p0 [sflag:s6], $0x1  }
0xb2: {  	s5 =	sor.u32 @!p0 s5, s7;
	[sflag:s6] =	ssyncadd.s32 @!p0 $0xFFFFFFFF  }
0xb3: {  	s25 =	simm.s32 $0x1B8E;
	s24 =	sld [smem:$0x3FFE];
	[sflag:s5] =	ssyncadd.remote.s32 @!p0 $0x1  }
0xb4: {  	s26 =	simm.s32 $execute0_lowered;
	[smem:$0x3FD2] =	sst s25  }
0xb5: {  	s6 =	sshll.u32 s26, $0x1;
	_ =	strace $0x8000004C;
	[dreg:$0x1] =	wrdreg $0xFFFFFFFF  }
0xb6: {  	s28 =	simm.s32 $_size_execute0_lowered;
	s4 =	sadd.s32 s4, s6;
	[dreg:$0x0] =	wrdreg $0x0  }
0xb7: {  	s6 =	sshll.u32 s28, $0x1;
	[dreg:$0x2] =	wrdreg s4  }
0xb8: {  	[dreg:$0x3] =	wrdreg s6  }
0xb9: {  	[dreg:$0x4] =	wrdreg $0xC0  }
0xba: {  	_ =	task [dreg:s22], $0x5FFFF  }
0xbb: {  	[dreg:$0x1] =	wrdreg $0xFFFFFFFF  }
0xbc: {  	[dreg:$0x0] =	wrdreg $0x60  }
0xbd: {  	[dreg:$0x2] =	wrdreg s24  }
0xbe: {  	[dreg:$0x3] =	wrdreg s18  }
0xbf: {  	[dreg:$0x4] =	wrdreg $0x10A400  }
0xc0: {  	[dreg:$0x5] =	wrdreg $0x9  }
0xc1: {  	_ =	task.clear_ibuf [dreg:s22], $0x6FFFF;
	_ =	strace $0x9000004C  }
0xc2: {  	s29 =	simm.s32 $0x9;
	_ =	strace $0x8000004E  }
0xc3: {  	_ =	swait.ge [sflag:s29], $0x1  }
0xc4: {  	[sflag:s29] =	ssyncadd.s32 $0xFFFFFFFF  }
0xc5: {  	_ =	strace $0x9000004E  }
0xc6: {  	_ =	sfence  }
0xc7: {  	s30 =	sld [smem:$0x0];
	_ =	sdelay $0x2  }
0xc8: {  	s31 =	sshll.u32 s1, $0xD;
	s1 =	sshrl.u32 s1, $0x2  }
0xc9: {  	s4 =	sand.u32 $0x4000, s31;
	s1 =	sadd.s32 s1, s30  }
0xca: {  	s0 =	sor.u32 s4, s0;
	s1 =	sshll.u32 s1, $0x11  }
0xcb: {  	s0 =	sor.u32 s1, s0  }
0xcc: {  	s0 =	sadd.s32 $0x8F2B, s0  }
0xcd: {  	[sflag:s0] =	ssyncadd.remote.s32 $0x1  }
0xce: {  	_ =	sfence.sel $0xFFFF  }
0xcf: {  	[dreg:$0x0] =	wrdreg $0xFFFFFFFF;
	(pc) =	sbr.abs _section_cstart, $3  }
0xd0: {  	[dreg:$0x1] =	wrdreg $0xFFFFFFFF  }
0xd1: {  	_ =	task.clear_ibuf [dreg:s22], $0x2FFFF;
	_ =	strace $0x9FFFFFFF  }
0xd2: {  	(tm) =	ssettm $0x7FFFFFFF  }
0xd3: {  	_ =	shalt  }
tec
execute0_lowered:
.L_overlay_start_1:
0x0: {  	(tag) =	ssettag $0x1  }
0x1: {  	s5 =	rddreg [dreg:$0x0]  }
0x2: {  	s8 =	rddreg [dreg:$0x1]  }
0x3: {  	s2 =	rddreg [dreg:$0x2]  }
0x4: {  	s0 =	rddreg [dreg:$0x3];
	s4 =	srdreg.scid  }
0x5: {  	s1 =	stileid.u32;
	s3 =	simm.s32 $0x0;
	s14 =	simm.s32 $0x4E20  }
0x6: {  	s15 =	simm.s32 $0x7530;
	s16 =	simm.s32 $0xBA40;
	s17 =	simm.s32 $0x50  }
0x7: {  	s18 =	simm.s32 $0x9C40;
	s19 =	simm.s32 $0xA640;
	s20 =	simm.s32 $0x1  }
0x8: {  	s21 =	simm.s32 $0xB040;
	s22 =	simm.s32 $0x0;
	s4 =	sand.u32 $0x1, s4  }
0x9: {  	s9 =	smul.u32 $0x5000, s1;
	[smem:$0x7FF] =	sst s3;
	s6 =	sshll.u32 s4, $0x4  }
0xa: {  	s7 =	smul.u32 $0x50000, s4;
	_ =	strace $0x8000004D;
	s31 =	ssub.s32 $0x2, s4  }
0xb: {  	s4 =	sadd.s32 $0x1600, s5;
	s6 =	sor.u32 s1, s6;
	s11 =	sshrl.u32 s31, $0x1  }
0xc: {  	s10 =	smul.u32 $0x4E2, s6;
	s30 =	sadd.s32 s9, s7;
	s11 =	ssub.s32 s31, s11  }
0xd: {  	s9 =	sadd.s32 s9, s2;
	s6 =	sshrl.u32 s30, $0x3;
	s11 =	smax.u32 s11, $0x1  }
0xe: {  	s12 =	sadd.s32 s10, s5;
	s13 =	sadd.s32 s6, s5;
	s8 =	sadd.s32 s8, s10  }
0xf: {  	s5 =	sadd.s32 $0x29200, s12;
	s6 =	sadd.s32 $0x15600, s12;
	s7 =	sadd.s32 $0x1F400, s12  }
0x10: {  	v0 =	vimm.f32 $0.0e+00;
	s10 =	sadd.s32 $0x33000, s13;
	s12 =	simm.s32 $0x2;
	s13 =	simm.s32 $0x2710  }
.LBB2_1:
0x11: {  	[tilespmem:s3], [sflag:$0x2] =	stream.linear.gather [hbm4b:s5+s3], $0x2710, $0x38;
	[tilespmem:$0x15A40] =	vst v63  }
0x12: {  	_ =	swait.ge [sflag:s12], $0x2710  }
0x13: {  	[sflag:s12] =	ssyncset.done $0x0  }
0x14: {  	[sflag:s12] =	ssyncadd.s32 $0xFFFFD8F0  }
0x15: {  	[tilespmem:s13], [sflag:$0x2] =	stream.linear.gather [hbm4b:s6+s3], $0x2710, $0x38;
	[tilespmem:$0x15A40] =	vst v63  }
0x16: {  	_ =	swait.ge [sflag:s12], $0x2710  }
0x17: {  	[sflag:s12] =	ssyncset.done $0x0  }
0x18: {  	[sflag:s12] =	ssyncadd.s32 $0xFFFFD8F0  }
0x19: {  	[tilespmem:s14], [sflag:$0x2] =	stream.linear.gather [hbm4b:s7+s3], $0x2710, $0x38;
	[tilespmem:$0x15A40] =	vst v63  }
0x1a: {  	_ =	swait.ge [sflag:s12], $0x2710  }
0x1b: {  	[sflag:s12] =	ssyncset.done $0x0  }
0x1c: {  	[sflag:s12] =	ssyncadd.s32 $0xFFFFD8F0  }
0x1d: {  	[tilespmem:s15], [sflag:$0x2] =	stream.linear.gather [hbm4b:s8+s3], $0x2710, $0x38;
	[tilespmem:$0x15A40] =	vst v63  }
0x1e: {  	_ =	swait.ge [sflag:s12], $0x2710  }
0x1f: {  	[sflag:s12] =	ssyncset.done $0x0  }
0x20: {  	s23 =	simm.s32 $0x80;
	s24 =	simm.s32 $0x0;
	[sflag:s12] =	ssyncadd.s32 $0xFFFFD8F0  }
.LBB2_2:
0x21: {  	p0 =	sne.s32 s23, $0x13F80;
	[tilespmem:s24+$0xBA40] =	vst v0;
	s25 =	smov.u32 s23;
	s23 =	sadd.s32 $0x80, s23  }
.Ltmp0:
0x22: {  	[tilespmem:s24+$0xBA50] =	vst v0;
	(pc) =	sbr.rel @p0 .LBB2_2-.Ltmp0, $2  }
0x23: {  	_ =	sdelay $0x2  }
0x24: {  	s24 =	sshra.s32 s25, $0x2  }
0x25: {  	[tilespmem:s24+$0xBA40] =	vst v0  }
0x26: {  	[tilespmem:s24+$0xBA50] =	vst v0  }
0x27: {  	[spmem:s9] =	stream.linear.scatter [tilespmem:s16], [sflag:$0x2], $0x5000, $0x38;
	[tilespmem:$0x15A40] =	vst v63  }
0x28: {  	_ =	swait.ge [sflag:s12], $0x5000  }
0x29: {  	[sflag:s12] =	ssyncset.done $0x0  }
0x2a: {  	[sflag:s12] =	ssyncadd.s32 $0xFFFFB000  }
0x2b: {  	s23 =	simm.s32 $0x0;
	[bflag:$0x0] =	sbarrier.arrive $0xFFFF  }
.LBB2_4:
0x2c: {  	s24 =	smul.u32 $0x50, s23;
	_ =	sdelay $0x1  }
0x2d: {  	[tilespmem:s18], [sflag:$0x1] =	stream.indirect.gather [hbm4b:s4+s17], $0x20, s24, s17, $0xb8;
	[tilespmem:$0x15A40] =	vst v63  }
0x2e: {  	s25 =	sadd.s32 $0x2710, s24  }
0x2f: {  	[tilespmem:s19], [sflag:$0x1] =	stream.indirect.gather [hbm4b:s4+s17], $0x20, s25, s17, $0xb8;
	[tilespmem:$0x15A40] =	vst v63  }
0x30: {  	_ =	swait.ge [sflag:s20], $0xA00  }
0x31: {  	[sflag:s20] =	ssyncset.done $0x0  }
0x32: {  	[sflag:s20] =	ssyncadd.s32 $0xFFFFF600  }
0x33: {  	_ =	swait.ge [sflag:s20], $0xA00  }
0x34: {  	[sflag:s20] =	ssyncset.done $0x0  }
0x35: {  	s25 =	simm.s32 $0xA650;
	[sflag:s20] =	ssyncadd.s32 $0xFFFFF600  }
0x36: {  	s26 =	simm.s32 $0x9C50;
	v1 =	vld [tilespmem:s25+$0x0]  }
0x37: {  	v2 =	vld [tilespmem:s26+$0x0];
	_ =	sdelay $0x4  }
0x38: {  	v1 =	vadd.f32 v1, v2  }
0x39: {  	s28 =	sadd.s32 $0x0, s24  }
0x3a: {  	v2 =	vmov s28;
	v1 =	vmul.f32 $1.442695020e+00, v1;
	_ =	sdelay $0x1  }
0x3b: {  	v3 =	vld [tilespmem:s25+$0xFFFFFFF0];
	(erf) = vpow2.f32 v1  }
0x3c: {  	v1 =	vld [tilespmem:s26+$0xFFFFFFF0];
	_ =	sdelay $0x1  }
0x3d: {  	v2 =	vld.idx.msk [tilespmem:v2+s15+$0x0], $0xffff;
	_ =	sdelay $0x2  }
0x3e: {  	v1 =	vadd.f32 v3, v1;
	_ =	sdelay $0x1  }
0x3f: {  	v1 =	vmul.f32 v1, v2;
	v2 =	vmul.f32 v2, v2  }
0x40: {  	s28 =	simm.s32 $0xB050;
	v3 =	vpop (erf)  }
0x41: {  	s29 =	simm.s32 $0x1;
	[tilespmem:s28+$0xFFFFFFF0] =	vst v1;
	v1 =	vmul.f32 v3, v2  }
.LBB2_5:
0x42: {  	_ = 	snop  }
0x43: {  	s25 =	sadd.s32 $0x20, s25;
	s26 =	sadd.s32 $0x20, s26;
	[tilespmem:s28+$0x0] =	vst v1;
	s28 =	sadd.s32 $0x20, s28  }
0x44: {  	p0 =	sne.s32 s29, $0x4F;
	s30 =	smov.u32 s29;
	s29 =	sadd.s32 $0x1, s29;
	v1 =	vld [tilespmem:s25+$0x0]  }
0x45: {  	v2 =	vld [tilespmem:s26+$0x0];
	_ =	sdelay $0x4  }
0x46: {  	s30 =	sadd.s32 s24, s30;
	v1 =	vadd.f32 v1, v2  }
0x47: {  	v2 =	vmov s30  }
0x48: {  	v1 =	vmul.f32 $1.442695020e+00, v1;
	_ =	sdelay $0x1  }
0x49: {  	v3 =	vld [tilespmem:s25+$0xFFFFFFF0];
	(erf) = vpow2.f32 v1  }
0x4a: {  	v1 =	vld [tilespmem:s26+$0xFFFFFFF0]  }
0x4b: {  	v2 =	vld.idx.msk [tilespmem:v2+s15+$0x0], $0xffff;
	_ =	sdelay $0x3  }
.Ltmp1:
0x4c: {  	v1 =	vadd.f32 v3, v1;
	(pc) =	sbr.rel @p0 .LBB2_5-.Ltmp1, $4  }
0x4d: {  	_ = 	snop  }
0x4e: {  	v1 =	vmul.f32 v1, v2;
	v2 =	vmul.f32 v2, v2  }
0x4f: {  	v3 =	vpop (erf)  }
0x50: {  	[tilespmem:s28+$0xFFFFFFF0] =	vst v1;
	v1 =	vmul.f32 v3, v2  }
0x51: {  	s23 =	sadd.s32 $0x1, s23  }
0x52: {  	p0 =	sne.s32 s23, $0x7D  }
.Ltmp2:
0x53: {  	s24 =	sadd.s32 $0x4E20, s24;
	[tilespmem:s28+$0x0] =	vst v1;
	(pc) =	sbr.rel @p0 .LBB2_4-.Ltmp2, $4  }
0x54: {  	[spmem:s2] =	stream.indirect.scatter.add.f32 [tilespmem:s21], [sflag:$0x2], $0x20, s24, s17, $0xb8;
	[tilespmem:$0x15A40] =	vst v63  }
0x55: {  	_ =	swait.ge [sflag:s12], $0xA00  }
0x56: {  	[sflag:s12] =	ssyncset.done $0x0  }
0x57: {  	[sflag:s12] =	ssyncadd.s32 $0xFFFFF600  }
0x58: {  	[bflag:$0x0] =	sbarrier.arrive $0xFFFF  }
0x59: {  	[tilespmem:s16], [sflag:$0x2] =	stream.linear.gather [spmem:s9], $0x5000, $0x38;
	[tilespmem:$0x15A40] =	vst v63  }
0x5a: {  	s22 =	sadd.s32 $0x1, s22;
	_ =	swait.ge [sflag:s12], $0x5000  }
0x5b: {  	p0 =	sne.s32 s22, s11;
	[sflag:s12] =	ssyncset.done $0x0  }
.Ltmp3:
0x5c: {  	[sflag:s12] =	ssyncadd.s32 $0xFFFFB000;
	(pc) =	sbr.rel @p0 .LBB2_1-.Ltmp3, $4  }
0x5d: {  	[hbm4b:s10+s3] =	stream.linear.scatter [tilespmem:s16], [sflag:$0x2], $0x5000, $0x38;
	[tilespmem:$0x15A40] =	vst v63  }
0x5e: {  	_ =	swait.ge [sflag:s12], $0x5000  }
0x5f: {  	[sflag:s12] =	ssyncset.done $0x0  }
0x60: {  	[sflag:s12] =	ssyncadd.s32 $0xFFFFB000  }
0x61: {  	_ =	sfence.sel $0x180000  }
0x62: {  	[bflag:$0x0] =	sbarrier.arrive $0xFFFF  }
0x63: {  	p0 =	sne.s32 s1, $0x0;
	_ =	strace $0x9000004D  }
0x64: {  	s0 =	sadd.s32 @!p0 $0x100000, s0;
	[bflag:$0x2] =	sbarrier.arrive $0xFFFF  }
0x65: {  	[sflag:s0] =	ssyncadd.tile.s32 @!p0 $0x1;
	_ =	shalt  }
.Lfunc_end2:
_tile_overlayer_lowered:
.L_overlay_start_2:
0x66: {  	(tag) =	ssettag $0x2  }
0x67: {  	s0 =	rddreg [dreg:$0x0];
	s2 =	stileid.u32  }
0x68: {  	s1 =	rddreg [dreg:$0x1];
	p0 =	sne.s32 s2, $0x0  }
0x69: {  	s3 =	rddreg [dreg:$0x2];
	[bflag:$0x3] =	sbarrier.arrive $0xFFFF;
	s2 =	simm.s32 @!p0 $0x1C02  }
0x6a: {  	[timem:s3], [sflag:s2] =	dma.local @!p0 [hbm:s0], s1  }
0x6b: {  	s0 =	simm.s32 @!p0 $0x2  }
0x6c: {  	_ =	swait.ge @!p0 [sflag:s0], s1  }
0x6d: {  	s1 =	ssub.s32 @!p0 $0x0, s1;
	[sflag:s0] =	ssyncset.done @!p0 $0x0  }
0x6e: {  	[sflag:s0] =	ssyncadd.s32 @!p0 s1  }
0x6f: {  	[bflag:$0x3] =	sbarrier.arrive $0xFFFF  }
0x70: {  	_ =	shalt  }

// kernel: kernel.16.cloned.1.call-start
scs
__scs_entry_jumppad:
0x0: {  	(pc) =	sbr.rel $0x88, $3  }
0x1: {  	(tag) =	ssettag $0x0;
	lr =	simm.s32 $0x1  }
0x2: {  	[smem:$0x3F98] =	sst lr;
	_ =	strace $0xD0000000  }
0x3: {  	_ = 	snop  }
0x4: {  	_ = 	snop  }
0x5: {  	_ = 	snop  }
0x6: {  	_ = 	snop  }
0x7: {  	_ = 	snop  }
__scs_overlays_trampoline_lowered:
0x8: {  	[smem:$0x3FA7] =	sst s0  }
0x9: {  	[smem:$0x3FA8] =	sst s1  }
0xa: {  	[smem:$0x3FA9] =	sst s2  }
0xb: {  	[smem:$0x3FAA] =	sst s3  }
0xc: {  	[smem:$0x3FAB] =	sst s4  }
0xd: {  	[smem:$0x3FAC] =	sst s5  }
0xe: {  	[smem:$0x3FAD] =	sst s6  }
0xf: {  	[smem:$0x3FAE] =	sst s7  }
0x10: {  	[smem:$0x3FAF] =	sst s8  }
0x11: {  	[smem:$0x3FB0] =	sst s9;
	s0 =	simm.s32 @!p0 $0x0  }
0x12: {  	s1 =	sld [smem:$0x3F96];
	s0 =	simm.s32 @p0 $0x1  }
0x13: {  	[smem:$0x3FB1] =	sst s0;
	s0 =	simm.s32 @!p1 $0x0  }
0x14: {  	s2 =	sld [smem:$0x3F95];
	s0 =	simm.s32 @p1 $0x1  }
0x15: {  	[smem:$0x3FB2] =	sst s0;
	s0 =	simm.s32 @!p2 $0x0  }
0x16: {  	s3 =	sld [smem:$0x3FDB];
	s0 =	simm.s32 @p2 $0x1  }
0x17: {  	s4 =	simm.s32 $0x1BF5;
	[smem:$0x3FB4] =	sst s0  }
0x18: {  	s0 =	sld [smem:$0x3F97];
	_ =	swait.ge [sflag:s4], $0x0  }
0x19: {  	s7 =	sld [smem:$0x3F98]  }
0x1a: {  	s8 =	sadd.s32 $0xFFFFE003, lr  }
0x1b: {  	s9 =	sadd.s32 $0xFFFFFEF7, lr;
	s5 =	simm.s32 $0xFFFFFFFF;
	p2 =	slt.u32 s8, $0xFFFFF086  }
0x1c: {  	p1 =	slt.u32 s9, $0xF7A;
	s5 =	simm.s32 @!p2 $0x0  }
0x1d: {  	s5 =	simm.s32 @p1 $0x1;
	p0 =	seq.s32 s7, s2  }
0x1e: {  	s7 =	smul.u32 @!p0 $0xF7A, s2;
	p2 =	seq.s32 @!p0 s5, $0x0  }
0x1f: {  	s9 =	smul.u32 $0xF7A, s1;
	s8 =	simm.s32 @!p0 $0x1BF5;
	p2 =	por !p2, p0  }
0x20: {  	[sflag:s8] =	ssyncset.s32 @!p0 $0xFFFFF086;
	s6 =	sadd.s32 @!p0 s3, s7;
	s7 =	simm.s32 @!p0 $0x108  }
0x21: {  	s3 =	sadd.s32 s3, s9;
	s6 =	sadd.s32 @!p0 $0x88, s6;
	s7 =	simm.s32 @p2 $0x1082  }
0x22: {  	[simem:s7], [sflag:s8] =	dma.local @!p0 [hbm:s6], $0xF7A  }
0x23: {  	s9 =	sor.u32 $0xD0000000, s2;
	s6 =	simm.s32 $0x108;
	_ =	swait.ge @!p0 [sflag:s8], $0x0  }
0x24: {  	s3 =	sadd.s32 $0x88, s3;
	s6 =	simm.s32 @!p1 $0x1082;
	[sflag:s4] =	ssyncset.s32 $0xFFFFF086  }
0x25: {  	[simem:s6], [sflag:s4] =	dma.local [hbm:s3], $0xF7A  }
0x26: {  	[smem:$0x3F98] =	sst s1;
	(tag) =	ssettag s2;
	_ =	strace s9  }
0x27: {  	s1 =	sld [smem:$0x3FA8]  }
0x28: {  	s2 =	sld [smem:$0x3FA9]  }
0x29: {  	s4 =	sld [smem:$0x3FAB]  }
0x2a: {  	p0 =	seq.s32 s5, $0x0;
	s5 =	sld [smem:$0x3FAC]  }
0x2b: {  	s6 =	sld [smem:$0x3FAD]  }
0x2c: {  	s7 =	sld [smem:$0x3FAE]  }
0x2d: {  	s3 =	simm.s32 $0x108;
	s8 =	sld [smem:$0x3FAF]  }
0x2e: {  	s3 =	simm.s32 @!p0 $0x1082;
	s9 =	sld [smem:$0x3FB0]  }
0x2f: {  	lr =	sadd.s32 s0, s3;
	s0 =	sld [smem:$0x3FA7]  }
0x30: {  	s3 =	sld [smem:$0x3FAA]  }
0x31: {  	[smem:$0x3FB3] =	sst s10  }
0x32: {  	s10 =	sld [smem:$0x3FB1];
	_ =	sdelay $0x3  }
0x33: {  	p0 =	seq.s32 s10, $0x1;
	s10 =	sld [smem:$0x3FB3];
	_ =	sdelay $0x3  }
0x34: {  	[smem:$0x3FB3] =	sst s10  }
0x35: {  	s10 =	sld [smem:$0x3FB2];
	_ =	sdelay $0x3  }
0x36: {  	p1 =	seq.s32 s10, $0x1;
	s10 =	sld [smem:$0x3FB3];
	_ =	sdelay $0x3  }
0x37: {  	[smem:$0x3FB3] =	sst s10  }
0x38: {  	s10 =	sld [smem:$0x3FB4]  }
0x39: {  	_ = 	snop;
	(pc) =	sbr.ind lr, $3  }
0x3a: {  	_ = 	snop  }
0x3b: {  	_ = 	snop  }
0x3c: {  	p2 =	seq.s32 s10, $0x1;
	s10 =	sld [smem:$0x3FB3]  }
0x3d: {  	_ =	shalt  }
0x3e: {  	_ =	shalt  }
0x3f: {  	_ =	shalt  }
0x40: {  	_ =	shalt  }
0x41: {  	_ =	shalt  }
0x42: {  	_ =	shalt  }
0x43: {  	_ =	shalt  }
0x44: {  	_ =	shalt  }
0x45: {  	_ =	shalt  }
0x46: {  	_ =	shalt  }
0x47: {  	_ =	shalt  }
0x48: {  	_ =	shalt  }
0x49: {  	_ =	shalt  }
0x4a: {  	_ =	shalt  }
0x4b: {  	_ =	shalt  }
0x4c: {  	_ =	shalt  }
0x4d: {  	_ =	shalt  }
0x4e: {  	_ =	shalt  }
0x4f: {  	_ =	shalt  }
0x50: {  	_ =	shalt  }
0x51: {  	_ =	shalt  }
0x52: {  	_ =	shalt  }
0x53: {  	_ =	shalt  }
0x54: {  	_ =	shalt  }
0x55: {  	_ =	shalt  }
0x56: {  	_ =	shalt  }
0x57: {  	_ =	shalt  }
0x58: {  	_ =	shalt  }
0x59: {  	_ =	shalt  }
0x5a: {  	_ =	shalt  }
0x5b: {  	_ =	shalt  }
0x5c: {  	_ =	shalt  }
0x5d: {  	_ =	shalt  }
0x5e: {  	_ =	shalt  }
0x5f: {  	_ =	shalt  }
0x60: {  	_ =	shalt  }
0x61: {  	_ =	shalt  }
0x62: {  	_ =	shalt  }
0x63: {  	_ =	shalt  }
0x64: {  	_ =	shalt  }
0x65: {  	_ =	shalt  }
0x66: {  	_ =	shalt  }
0x67: {  	_ =	shalt  }
0x68: {  	_ =	shalt  }
0x69: {  	_ =	shalt  }
0x6a: {  	_ =	shalt  }
0x6b: {  	_ =	shalt  }
0x6c: {  	_ =	shalt  }
0x6d: {  	_ =	shalt  }
0x6e: {  	_ =	shalt  }
0x6f: {  	_ =	shalt  }
0x70: {  	_ =	shalt  }
0x71: {  	_ =	shalt  }
0x72: {  	_ =	shalt  }
0x73: {  	_ =	shalt  }
0x74: {  	_ =	shalt  }
0x75: {  	_ =	shalt  }
0x76: {  	_ =	shalt  }
0x77: {  	_ =	shalt  }
0x78: {  	_ =	shalt  }
0x79: {  	_ =	shalt  }
0x7a: {  	_ =	shalt  }
0x7b: {  	_ =	shalt  }
0x7c: {  	_ =	shalt  }
0x7d: {  	_ =	shalt  }
0x7e: {  	_ =	shalt  }
0x7f: {  	_ =	shalt  }
0x80: {  	_ =	shalt  }
0x81: {  	_ =	shalt  }
0x82: {  	_ =	shalt  }
0x83: {  	_ =	shalt  }
0x84: {  	_ =	shalt  }
0x85: {  	_ =	shalt  }
0x86: {  	_ =	shalt  }
0x87: {  	_ =	shalt  }
.Lfunc_end0:
.L_simem_size_0:
called_computation.2_lowered:
.L_overlay_start_0:
0x88: {  	s2 =	sld [smem:$0x3FD9]  }
0x89: {  	s3 =	sld [smem:$0x3FFE];
	_ =	sdelay $0x1  }
0x8a: {  	s1 =	srdreg.scid  }
0x8b: {  	s0 =	sand.u32 $0x1, s1  }
0x8c: {  	s14 =	sshll.u32 s0, $0xA;
	s2 =	sadd.s32 s3, s2  }
0x8d: {  	s2 =	sadd.s32 s2, s14  }
0x8e: {  	[smem:$0x3FBF] =	sst s2  }
0x8f: {  	_ = 	snop  }
0x90: {  	s2 =	sld [smem:$0x3FD0];
	_ =	sdelay $0x2  }
0x91: {  	s15 =	simm.s32 $0xB;
	s4 =	simm.s32 $0x10  }
0x92: {  	[smem:s4], [sflag:s15] =	dma.local [hbm:s2], $0x1  }
0x93: {  	_ =	swait.eq [sflag:s15], $0x1  }
0x94: {  	[sflag:s15] =	ssyncset.done $0x0  }
0x95: {  	s16 =	sld [smem:$0x11];
	[sflag:s15] =	ssyncadd.s32 $0xFFFFFFFF  }
0x96: {  	s17 =	sld [smem:$0x12];
	(tm) =	ssettm $0x1  }
0x97: {  	s18 =	sld [smem:$0x3FFB];
	_ =	sdelay $0x3  }
0x98: {  	_ =	strace s18  }
0x99: {  	s4 =	sld [smem:$0x3FFC];
	_ =	sdelay $0x3  }
0x9a: {  	_ =	strace s4  }
0x9b: {  	s4 =	sld [smem:$0x3FFD];
	_ =	sdelay $0x3  }
0x9c: {  	_ =	strace s4  }
0x9d: {  	_ =	strace $0x8FFFFFFF  }
0x9e: {  	s19 =	sld [smem:$0x3FDB];
	_ =	sdelay $0x1  }
0x9f: {  	s5 =	simm.s32 $_scs_section_size  }
0xa0: {  	s6 =	simm.s32 $_size__tile_overlayer_lowered;
	s7 =	simm.s32 $_tile_overlayer_lowered  }
0xa1: {  	s22 =	simm.s32 $0x1BFF;
	s21 =	sshll.u32 s7, $0x1;
	s4 =	sadd.s32 s5, s19  }
0xa2: {  	s8 =	simm.s32 $0x0;
	s20 =	sshll.u32 s6, $0x1;
	s6 =	sadd.s32 s21, s4  }
0xa3: {  	[timem:s8], [sflag:s22] =	dma.local [hbm:s6], s20  }
0xa4: {  	_ =	swait.ge [sflag:s22], s20  }
0xa5: {  	s5 =	ssub.s32 $0x0, s20;
	[sflag:s22] =	ssyncset.done $0x0  }
0xa6: {  	[sflag:s22] =	ssyncadd.s32 s5;
	_ =	sdelay $0x1  }
0xa7: {  	s23 =	simm.s32 $0x1B8B  }
0xa8: {  	_ =	swait.ge [sflag:s23], $0x1  }
0xa9: {  	[sflag:s23] =	ssyncset.done $0x0  }
0xaa: {  	s25 =	simm.s32 $0x1B8E;
	s24 =	sld [smem:$0x3FFE];
	[sflag:s23] =	ssyncadd.s32 $0xFFFFFFFF  }
0xab: {  	s26 =	simm.s32 $execute0_lowered;
	[smem:$0x3FD2] =	sst s25  }
0xac: {  	s6 =	sshll.u32 s26, $0x1;
	_ =	strace $0x80000049;
	[dreg:$0x1] =	wrdreg $0xFFFFFFFF  }
0xad: {  	s28 =	simm.s32 $_size_execute0_lowered;
	s4 =	sadd.s32 s4, s6;
	[dreg:$0x0] =	wrdreg $0x0  }
0xae: {  	s6 =	sshll.u32 s28, $0x1;
	[dreg:$0x2] =	wrdreg s4  }
0xaf: {  	[dreg:$0x3] =	wrdreg s6  }
0xb0: {  	[dreg:$0x4] =	wrdreg $0xC0  }
0xb1: {  	_ =	task [dreg:s8], $0x5FFFF  }
0xb2: {  	[dreg:$0x1] =	wrdreg $0xFFFFFFFF  }
0xb3: {  	[dreg:$0x0] =	wrdreg $0x60  }
0xb4: {  	[dreg:$0x2] =	wrdreg s24  }
0xb5: {  	[dreg:$0x3] =	wrdreg s17  }
0xb6: {  	[dreg:$0x4] =	wrdreg s16  }
0xb7: {  	[dreg:$0x5] =	wrdreg $0xA  }
0xb8: {  	_ =	task.clear_ibuf [dreg:s8], $0x6FFFF;
	_ =	strace $0x90000049  }
0xb9: {  	s29 =	simm.s32 $0xA;
	_ =	strace $0x8000004B  }
0xba: {  	_ =	swait.ge [sflag:s29], $0x1  }
0xbb: {  	[sflag:s29] =	ssyncadd.s32 $0xFFFFFFFF  }
0xbc: {  	_ =	strace $0x9000004B  }
0xbd: {  	_ =	sfence  }
0xbe: {  	s30 =	sld [smem:$0x0];
	_ =	sdelay $0x2  }
0xbf: {  	s31 =	sshll.u32 s1, $0xD;
	s1 =	sshrl.u32 s1, $0x2  }
0xc0: {  	s3 =	sand.u32 $0x4000, s31;
	s1 =	sadd.s32 s1, s30  }
0xc1: {  	s0 =	sor.u32 s3, s0;
	s1 =	sshll.u32 s1, $0x11  }
0xc2: {  	s0 =	sor.u32 s1, s0  }
0xc3: {  	s0 =	sadd.s32 $0x8F2B, s0  }
0xc4: {  	[sflag:s0] =	ssyncadd.remote.s32 $0x1  }
0xc5: {  	_ =	sfence.sel $0xFFFF  }
0xc6: {  	[dreg:$0x0] =	wrdreg $0xFFFFFFFF;
	(pc) =	sbr.abs _section_cstart, $3  }
0xc7: {  	[dreg:$0x1] =	wrdreg $0xFFFFFFFF  }
0xc8: {  	_ =	task.clear_ibuf [dreg:s8], $0x2FFFF;
	_ =	strace $0x9FFFFFFF  }
0xc9: {  	(tm) =	ssettm $0x7FFFFFFF  }
tec
execute0_lowered:
.L_overlay_start_1:
0x0: {  	(tag) =	ssettag $0x1  }
0x1: {  	s8 =	rddreg [dreg:$0x0]  }
0x2: {  	s2 =	rddreg [dreg:$0x1]  }
0x3: {  	s0 =	srdreg.scid;
	s3 =	rddreg [dreg:$0x2];
	s4 =	simm.s32 $0x0  }
0x4: {  	s12 =	simm.s32 $0x2;
	s13 =	simm.s32 $0x2710;
	s14 =	simm.s32 $0x50  }
0x5: {  	s15 =	simm.s32 $0x4E20;
	s16 =	simm.s32 $0x6220;
	s17 =	simm.s32 $0x7620  }
0x6: {  	s18 =	simm.s32 $0x7B20;
	s19 =	simm.s32 $0x1;
	s7 =	sand.u32 $0x1, s0  }
0x7: {  	s20 =	simm.s32 $0x8020;
	s0 =	stileid.u32;
	s1 =	sshll.u32 s7, $0x4  }
0x8: {  	s21 =	simm.s32 $0x8520;
	s22 =	simm.s32 $0x0;
	s5 =	sor.u32 s0, s1  }
0x9: {  	[smem:$0x7FF] =	sst s4;
	s31 =	ssub.s32 $0x2, s7;
	s5 =	smul.u32 $0x2710, s5  }
0xa: {  	s6 =	sadd.s32 $0x1600, s8;
	s7 =	sadd.s32 $0x64800, s8;
	s11 =	sshrl.u32 s31, $0x1  }
0xb: {  	s1 =	rddreg [dreg:$0x3];
	s11 =	ssub.s32 s31, s11;
	s9 =	sshrl.u32 s5, $0x3  }
0xc: {  	_ =	strace $0x8000004A;
	s11 =	smax.u32 s11, $0x1;
	s10 =	sadd.s32 s9, s8  }
0xd: {  	s8 =	sadd.s32 $0x100C00, s8;
	s9 =	sadd.s32 $0x5AA00, s10;
	s10 =	sadd.s32 $0x50C00, s10  }
.LBB2_1:
0xe: {  	[tilespmem:s4], [sflag:$0x2] =	stream.linear.gather [hbm4b:s9+s4], $0x2710, $0x38;
	[tilespmem:$0x8A20] =	vst v63  }
0xf: {  	_ =	swait.ge [sflag:s12], $0x2710  }
0x10: {  	[sflag:s12] =	ssyncset.done $0x0  }
0x11: {  	[sflag:s12] =	ssyncadd.s32 $0xFFFFD8F0  }
0x12: {  	[tilespmem:s13], [sflag:$0x2] =	stream.linear.gather [hbm4b:s10+s4], $0x2710, $0x38;
	[tilespmem:$0x8A20] =	vst v63  }
0x13: {  	_ =	swait.ge [sflag:s12], $0x2710  }
0x14: {  	[sflag:s12] =	ssyncset.done $0x0  }
0x15: {  	s23 =	simm.s32 $0x0;
	[sflag:s12] =	ssyncadd.s32 $0xFFFFD8F0  }
.LBB2_2:
0x16: {  	s24 =	smul.u32 $0x50, s23;
	_ =	sdelay $0x1  }
0x17: {  	[tilespmem:s15], [sflag:$0x1] =	stream.indirect.gather [hbm4b:s6+s14], $0x40, s24, s14, $0xb8;
	[tilespmem:$0x8A20] =	vst v63  }
0x18: {  	s25 =	sadd.s32 $0x2710, s24;
	s24 =	sadd.s32 s5, s24  }
0x19: {  	s24 =	sshll.u32 s24, $0x1  }
0x1a: {  	[tilespmem:s16], [sflag:$0x1] =	stream.indirect.gather [hbm4b:s6+s14], $0x40, s25, s14, $0xb8;
	[tilespmem:$0x8A20] =	vst v63  }
0x1b: {  	s26 =	simm.s32 $0x0;
	s30 =	sadd.s32 s2, s24  }
0x1c: {  	[tilespmem:s17], [sflag:$0x2] =	stream.linear.gather [hbm4b:s30+s26], $0x500, $0x38;
	[tilespmem:$0x8A20] =	vst v63  }
0x1d: {  	_ =	swait.ge [sflag:s12], $0x500  }
0x1e: {  	[sflag:s12] =	ssyncset.done $0x0  }
0x1f: {  	s31 =	sadd.s32 s3, s24;
	[sflag:s12] =	ssyncadd.s32 $0xFFFFFB00  }
0x20: {  	[tilespmem:s18], [sflag:$0x2] =	stream.linear.gather [hbm4b:s31+s26], $0x500, $0x38;
	[tilespmem:$0x8A20] =	vst v63  }
0x21: {  	_ =	swait.ge [sflag:s12], $0x500  }
0x22: {  	[sflag:s12] =	ssyncset.done $0x0  }
0x23: {  	[sflag:s12] =	ssyncadd.s32 $0xFFFFFB00  }
0x24: {  	_ =	swait.ge [sflag:s19], $0x1400  }
0x25: {  	[sflag:s19] =	ssyncset.done $0x0  }
0x26: {  	[sflag:s19] =	ssyncadd.s32 $0xFFFFEC00  }
0x27: {  	_ =	swait.ge [sflag:s19], $0x1400  }
0x28: {  	[sflag:s19] =	ssyncset.done $0x0  }
0x29: {  	s25 =	simm.s32 $0x4E40;
	[sflag:s19] =	ssyncadd.s32 $0xFFFFEC00  }
0x2a: {  	s26 =	simm.s32 $0x6240;
	v0 =	vld [tilespmem:s25+$0x10]  }
0x2b: {  	v1 =	vld [tilespmem:s26+$0xFFFFFFF0]  }
0x2c: {  	v2 =	vld [tilespmem:s26+$0x10]  }
0x2d: {  	v3 =	vld [tilespmem:s25+$0xFFFFFFF0];
	_ =	sdelay $0x2  }
0x2e: {  	v0 =	vadd.f32 v1, v0;
	_ =	sdelay $0x1  }
0x2f: {  	v1 =	vadd.f32 v2, v3;
	v0 =	vmul.f32 $1.442695020e+00, v0;
	_ =	sdelay $0x1  }
0x30: {  	v1 =	vmul.f32 $1.442695020e+00, v1;
	(erf) = vpow2.f32 v0;
	_ =	sdelay $0x1  }
0x31: {  	v4 =	vld [tilespmem:s26+$0x0];
	(erf) = vpow2.f32 v1  }
0x32: {  	s29 =	simm.s32 $0x0;
	v2 =	vld [tilespmem:s26+$0xFFFFFFE0]  }
0x33: {  	v3 =	vld [tilespmem:s29+$0x7B20]  }
0x34: {  	v1 =	vld [tilespmem:s25+$0x0]  }
0x35: {  	v5 =	vld [tilespmem:s29+$0x7620]  }
0x36: {  	v0 =	vld [tilespmem:s25+$0xFFFFFFE0];
	_ =	sdelay $0x1  }
0x37: {  	v6 =	vpop (erf)  }
0x38: {  	v1 =	vadd.f32 v2, v1;
	v3 =	vmul.f32 v3, v6  }
0x39: {  	v2 =	vpop (erf)  }
0x3a: {  	v0 =	vadd.f32 v4, v0;
	v2 =	vmul.f32 v2, v5;
	v1 =	vadd.f32 v3, v1;
	_ =	sdelay $0x1  }
0x3b: {  	s28 =	simm.s32 $0x40;
	v0 =	vadd.f32 v2, v0;
	[tilespmem:s29+$0x8520] =	vst v1  }
.LBB2_3:
0x3c: {  	_ = 	snop  }
0x3d: {  	p0 =	sne.s32 s28, $0x13C0;
	s25 =	sadd.s32 $0x40, s25;
	s26 =	sadd.s32 $0x40, s26;
	[tilespmem:s29+$0x8020] =	vst v0  }
0x3e: {  	s29 =	smov.u32 s28;
	s28 =	sadd.s32 $0x40, s28;
	v0 =	vld [tilespmem:s25+$0x10]  }
0x3f: {  	v1 =	vld [tilespmem:s26+$0xFFFFFFF0]  }
0x40: {  	v2 =	vld [tilespmem:s26+$0x10]  }
0x41: {  	v3 =	vld [tilespmem:s25+$0xFFFFFFF0];
	_ =	sdelay $0x2  }
0x42: {  	v0 =	vadd.f32 v1, v0;
	_ =	sdelay $0x1  }
0x43: {  	v1 =	vadd.f32 v2, v3;
	v0 =	vmul.f32 $1.442695020e+00, v0;
	_ =	sdelay $0x1  }
0x44: {  	v1 =	vmul.f32 $1.442695020e+00, v1;
	(erf) = vpow2.f32 v0;
	_ =	sdelay $0x1  }
0x45: {  	v0 =	vld [tilespmem:s25+$0xFFFFFFE0];
	(erf) = vpow2.f32 v1  }
0x46: {  	v1 =	vld [tilespmem:s25+$0x0]  }
0x47: {  	s29 =	sshra.s32 s29, $0x2;
	v2 =	vld [tilespmem:s26+$0xFFFFFFE0]  }
0x48: {  	v3 =	vld [tilespmem:s29+$0x7B20]  }
0x49: {  	v4 =	vld [tilespmem:s26+$0x0]  }
0x4a: {  	v5 =	vld [tilespmem:s29+$0x7620];
	_ =	sdelay $0x1  }
0x4b: {  	v6 =	vpop (erf)  }
.Ltmp0:
0x4c: {  	v1 =	vadd.f32 v2, v1;
	v3 =	vmul.f32 v3, v6;
	(pc) =	sbr.rel @p0 .LBB2_3-.Ltmp0, $3  }
0x4d: {  	v0 =	vadd.f32 v4, v0;
	v2 =	vpop (erf)  }
0x4e: {  	v2 =	vmul.f32 v2, v5;
	v1 =	vadd.f32 v3, v1;
	_ =	sdelay $0x1  }
0x4f: {  	v0 =	vadd.f32 v2, v0;
	[tilespmem:s29+$0x8520] =	vst v1  }
0x50: {  	_ = 	snop  }
0x51: {  	s25 =	sadd.s32 s7, s24;
	[tilespmem:s29+$0x8020] =	vst v0  }
0x52: {  	[hbm4b:s25+s4] =	stream.linear.scatter [tilespmem:s20], [sflag:$0x2], $0x500, $0x38;
	[tilespmem:$0x8A20] =	vst v63  }
0x53: {  	s23 =	sadd.s32 $0x1, s23;
	_ =	swait.ge [sflag:s12], $0x500  }
0x54: {  	p0 =	sne.s32 s23, $0x7D;
	[sflag:s12] =	ssyncset.done $0x0  }
.Ltmp1:
0x55: {  	s31 =	sadd.s32 s8, s24;
	[sflag:s12] =	ssyncadd.s32 $0xFFFFFB00;
	(pc) =	sbr.rel @p0 .LBB2_2-.Ltmp1, $4  }
0x56: {  	[hbm4b:s31+s4] =	stream.linear.scatter [tilespmem:s21], [sflag:$0x2], $0x500, $0x38;
	[tilespmem:$0x8A20] =	vst v63  }
0x57: {  	_ =	swait.ge [sflag:s12], $0x500  }
0x58: {  	[sflag:s12] =	ssyncset.done $0x0  }
0x59: {  	[sflag:s12] =	ssyncadd.s32 $0xFFFFFB00  }
0x5a: {  	s22 =	sadd.s32 $0x1, s22  }
0x5b: {  	p0 =	sne.s32 s22, s11  }
.Ltmp2:
0x5c: {  	_ = 	snop;
	(pc) =	sbr.rel @p0 .LBB2_1-.Ltmp2, $1  }
0x5d: {  	_ =	sdelay $0x3  }
0x5e: {  	_ =	sfence.sel $0x180000  }
0x5f: {  	[bflag:$0x0] =	sbarrier.arrive $0xFFFF  }
0x60: {  	p0 =	sne.s32 s0, $0x0;
	_ =	strace $0x9000004A  }
0x61: {  	s0 =	sadd.s32 @!p0 $0x100000, s1;
	[bflag:$0x2] =	sbarrier.arrive $0xFFFF  }
0x62: {  	[sflag:s0] =	ssyncadd.tile.s32 @!p0 $0x1;
	_ =	shalt  }
.Lfunc_end2:
_tile_overlayer_lowered:
.L_overlay_start_2:
0x63: {  	(tag) =	ssettag $0x2  }
0x64: {  	s0 =	rddreg [dreg:$0x0];
	s2 =	stileid.u32  }
0x65: {  	s1 =	rddreg [dreg:$0x1];
	p0 =	sne.s32 s2, $0x0  }
0x66: {  	s3 =	rddreg [dreg:$0x2];
	[bflag:$0x3] =	sbarrier.arrive $0xFFFF;
	s2 =	simm.s32 @!p0 $0x1C02  }
0x67: {  	[timem:s3], [sflag:s2] =	dma.local @!p0 [hbm:s0], s1  }
0x68: {  	s0 =	simm.s32 @!p0 $0x2  }
0x69: {  	_ =	swait.ge @!p0 [sflag:s0], s1  }
0x6a: {  	s1 =	ssub.s32 @!p0 $0x0, s1;
	[sflag:s0] =	ssyncset.done @!p0 $0x0  }
0x6b: {  	[sflag:s0] =	ssyncadd.s32 @!p0 s1  }
0x6c: {  	[bflag:$0x3] =	sbarrier.arrive $0xFFFF  }
0x6d: {  	_ =	shalt  }

// kernel: kernel.8.cloned.1.call-start
scs
__scs_entry_jumppad:
0x0: {  	(pc) =	sbr.rel $0x88, $3  }
0x1: {  	(tag) =	ssettag $0x0;
	lr =	simm.s32 $0x1  }
0x2: {  	[smem:$0x3F98] =	sst lr;
	_ =	strace $0xD0000000  }
0x3: {  	_ = 	snop  }
0x4: {  	_ = 	snop  }
0x5: {  	_ = 	snop  }
0x6: {  	_ = 	snop  }
0x7: {  	_ = 	snop  }
__scs_overlays_trampoline_lowered:
0x8: {  	[smem:$0x3FA7] =	sst s0  }
0x9: {  	[smem:$0x3FA8] =	sst s1  }
0xa: {  	[smem:$0x3FA9] =	sst s2  }
0xb: {  	[smem:$0x3FAA] =	sst s3  }
0xc: {  	[smem:$0x3FAB] =	sst s4  }
0xd: {  	[smem:$0x3FAC] =	sst s5  }
0xe: {  	[smem:$0x3FAD] =	sst s6  }
0xf: {  	[smem:$0x3FAE] =	sst s7  }
0x10: {  	[smem:$0x3FAF] =	sst s8  }
0x11: {  	[smem:$0x3FB0] =	sst s9;
	s0 =	simm.s32 @!p0 $0x0  }
0x12: {  	s1 =	sld [smem:$0x3F96];
	s0 =	simm.s32 @p0 $0x1  }
0x13: {  	[smem:$0x3FB1] =	sst s0;
	s0 =	simm.s32 @!p1 $0x0  }
0x14: {  	s2 =	sld [smem:$0x3F95];
	s0 =	simm.s32 @p1 $0x1  }
0x15: {  	[smem:$0x3FB2] =	sst s0;
	s0 =	simm.s32 @!p2 $0x0  }
0x16: {  	s3 =	sld [smem:$0x3FDB];
	s0 =	simm.s32 @p2 $0x1  }
0x17: {  	s4 =	simm.s32 $0x1BF5;
	[smem:$0x3FB4] =	sst s0  }
0x18: {  	s0 =	sld [smem:$0x3F97];
	_ =	swait.ge [sflag:s4], $0x0  }
0x19: {  	s7 =	sld [smem:$0x3F98]  }
0x1a: {  	s8 =	sadd.s32 $0xFFFFE003, lr  }
0x1b: {  	s9 =	sadd.s32 $0xFFFFFEF7, lr;
	s5 =	simm.s32 $0xFFFFFFFF;
	p2 =	slt.u32 s8, $0xFFFFF086  }
0x1c: {  	p1 =	slt.u32 s9, $0xF7A;
	s5 =	simm.s32 @!p2 $0x0  }
0x1d: {  	s5 =	simm.s32 @p1 $0x1;
	p0 =	seq.s32 s7, s2  }
0x1e: {  	s7 =	smul.u32 @!p0 $0xF7A, s2;
	p2 =	seq.s32 @!p0 s5, $0x0  }
0x1f: {  	s9 =	smul.u32 $0xF7A, s1;
	s8 =	simm.s32 @!p0 $0x1BF5;
	p2 =	por !p2, p0  }
0x20: {  	[sflag:s8] =	ssyncset.s32 @!p0 $0xFFFFF086;
	s6 =	sadd.s32 @!p0 s3, s7;
	s7 =	simm.s32 @!p0 $0x108  }
0x21: {  	s3 =	sadd.s32 s3, s9;
	s6 =	sadd.s32 @!p0 $0x88, s6;
	s7 =	simm.s32 @p2 $0x1082  }
0x22: {  	[simem:s7], [sflag:s8] =	dma.local @!p0 [hbm:s6], $0xF7A  }
0x23: {  	s9 =	sor.u32 $0xD0000000, s2;
	s6 =	simm.s32 $0x108;
	_ =	swait.ge @!p0 [sflag:s8], $0x0  }
0x24: {  	s3 =	sadd.s32 $0x88, s3;
	s6 =	simm.s32 @!p1 $0x1082;
	[sflag:s4] =	ssyncset.s32 $0xFFFFF086  }
0x25: {  	[simem:s6], [sflag:s4] =	dma.local [hbm:s3], $0xF7A  }
0x26: {  	[smem:$0x3F98] =	sst s1;
	(tag) =	ssettag s2;
	_ =	strace s9  }
0x27: {  	s1 =	sld [smem:$0x3FA8]  }
0x28: {  	s2 =	sld [smem:$0x3FA9]  }
0x29: {  	s4 =	sld [smem:$0x3FAB]  }
0x2a: {  	p0 =	seq.s32 s5, $0x0;
	s5 =	sld [smem:$0x3FAC]  }
0x2b: {  	s6 =	sld [smem:$0x3FAD]  }
0x2c: {  	s7 =	sld [smem:$0x3FAE]  }
0x2d: {  	s3 =	simm.s32 $0x108;
	s8 =	sld [smem:$0x3FAF]  }
0x2e: {  	s3 =	simm.s32 @!p0 $0x1082;
	s9 =	sld [smem:$0x3FB0]  }
0x2f: {  	lr =	sadd.s32 s0, s3;
	s0 =	sld [smem:$0x3FA7]  }
0x30: {  	s3 =	sld [smem:$0x3FAA]  }
0x31: {  	[smem:$0x3FB3] =	sst s10  }
0x32: {  	s10 =	sld [smem:$0x3FB1];
	_ =	sdelay $0x3  }
0x33: {  	p0 =	seq.s32 s10, $0x1;
	s10 =	sld [smem:$0x3FB3];
	_ =	sdelay $0x3  }
0x34: {  	[smem:$0x3FB3] =	sst s10  }
0x35: {  	s10 =	sld [smem:$0x3FB2];
	_ =	sdelay $0x3  }
0x36: {  	p1 =	seq.s32 s10, $0x1;
	s10 =	sld [smem:$0x3FB3];
	_ =	sdelay $0x3  }
0x37: {  	[smem:$0x3FB3] =	sst s10  }
0x38: {  	s10 =	sld [smem:$0x3FB4]  }
0x39: {  	_ = 	snop;
	(pc) =	sbr.ind lr, $3  }
0x3a: {  	_ = 	snop  }
0x3b: {  	_ = 	snop  }
0x3c: {  	p2 =	seq.s32 s10, $0x1;
	s10 =	sld [smem:$0x3FB3]  }
0x3d: {  	_ =	shalt  }
0x3e: {  	_ =	shalt  }
0x3f: {  	_ =	shalt  }
0x40: {  	_ =	shalt  }
0x41: {  	_ =	shalt  }
0x42: {  	_ =	shalt  }
0x43: {  	_ =	shalt  }
0x44: {  	_ =	shalt  }
0x45: {  	_ =	shalt  }
0x46: {  	_ =	shalt  }
0x47: {  	_ =	shalt  }
0x48: {  	_ =	shalt  }
0x49: {  	_ =	shalt  }
0x4a: {  	_ =	shalt  }
0x4b: {  	_ =	shalt  }
0x4c: {  	_ =	shalt  }
0x4d: {  	_ =	shalt  }
0x4e: {  	_ =	shalt  }
0x4f: {  	_ =	shalt  }
0x50: {  	_ =	shalt  }
0x51: {  	_ =	shalt  }
0x52: {  	_ =	shalt  }
0x53: {  	_ =	shalt  }
0x54: {  	_ =	shalt  }
0x55: {  	_ =	shalt  }
0x56: {  	_ =	shalt  }
0x57: {  	_ =	shalt  }
0x58: {  	_ =	shalt  }
0x59: {  	_ =	shalt  }
0x5a: {  	_ =	shalt  }
0x5b: {  	_ =	shalt  }
0x5c: {  	_ =	shalt  }
0x5d: {  	_ =	shalt  }
0x5e: {  	_ =	shalt  }
0x5f: {  	_ =	shalt  }
0x60: {  	_ =	shalt  }
0x61: {  	_ =	shalt  }
0x62: {  	_ =	shalt  }
0x63: {  	_ =	shalt  }
0x64: {  	_ =	shalt  }
0x65: {  	_ =	shalt  }
0x66: {  	_ =	shalt  }
0x67: {  	_ =	shalt  }
0x68: {  	_ =	shalt  }
0x69: {  	_ =	shalt  }
0x6a: {  	_ =	shalt  }
0x6b: {  	_ =	shalt  }
0x6c: {  	_ =	shalt  }
0x6d: {  	_ =	shalt  }
0x6e: {  	_ =	shalt  }
0x6f: {  	_ =	shalt  }
0x70: {  	_ =	shalt  }
0x71: {  	_ =	shalt  }
0x72: {  	_ =	shalt  }
0x73: {  	_ =	shalt  }
0x74: {  	_ =	shalt  }
0x75: {  	_ =	shalt  }
0x76: {  	_ =	shalt  }
0x77: {  	_ =	shalt  }
0x78: {  	_ =	shalt  }
0x79: {  	_ =	shalt  }
0x7a: {  	_ =	shalt  }
0x7b: {  	_ =	shalt  }
0x7c: {  	_ =	shalt  }
0x7d: {  	_ =	shalt  }
0x7e: {  	_ =	shalt  }
0x7f: {  	_ =	shalt  }
0x80: {  	_ =	shalt  }
0x81: {  	_ =	shalt  }
0x82: {  	_ =	shalt  }
0x83: {  	_ =	shalt  }
0x84: {  	_ =	shalt  }
0x85: {  	_ =	shalt  }
0x86: {  	_ =	shalt  }
0x87: {  	_ =	shalt  }
.Lfunc_end0:
.L_simem_size_0:
called_computation_lowered:
.L_overlay_start_0:
0x88: {  	s2 =	sld [smem:$0x3FD9]  }
0x89: {  	s3 =	sld [smem:$0x3FFE];
	_ =	sdelay $0x1  }
0x8a: {  	s1 =	srdreg.scid  }
0x8b: {  	s0 =	sand.u32 $0x1, s1  }
0x8c: {  	s17 =	sshll.u32 s0, $0xA;
	s2 =	sadd.s32 s3, s2  }
0x8d: {  	s2 =	sadd.s32 s2, s17  }
0x8e: {  	[smem:$0x3FBF] =	sst s2  }
0x8f: {  	_ = 	snop  }
0x90: {  	s2 =	sld [smem:$0x3FC5];
	(tm) =	ssettm $0x1  }
0x91: {  	s18 =	sld [smem:$0x3FFB];
	_ =	sdelay $0x3  }
0x92: {  	_ =	strace s18  }
0x93: {  	s3 =	sld [smem:$0x3FFC];
	_ =	sdelay $0x3  }
0x94: {  	_ =	strace s3  }
0x95: {  	s3 =	sld [smem:$0x3FFD];
	_ =	sdelay $0x3  }
0x96: {  	_ =	strace s3  }
0x97: {  	_ =	strace $0x8FFFFFFF  }
0x98: {  	s19 =	sld [smem:$0x3FDB];
	_ =	sdelay $0x1  }
0x99: {  	s4 =	simm.s32 $_scs_section_size  }
0x9a: {  	s5 =	simm.s32 $_size__tile_overlayer_lowered;
	s6 =	simm.s32 $_tile_overlayer_lowered  }
0x9b: {  	s22 =	simm.s32 $0x1BFF;
	s21 =	sshll.u32 s6, $0x1;
	s3 =	sadd.s32 s4, s19  }
0x9c: {  	s7 =	simm.s32 $0x0;
	s20 =	sshll.u32 s5, $0x1;
	s5 =	sadd.s32 s21, s3  }
0x9d: {  	[timem:s7], [sflag:s22] =	dma.local [hbm:s5], s20  }
0x9e: {  	_ =	swait.ge [sflag:s22], s20  }
0x9f: {  	s4 =	ssub.s32 $0x0, s20;
	[sflag:s22] =	ssyncset.done $0x0  }
0xa0: {  	[sflag:s22] =	ssyncadd.s32 s4;
	_ =	sdelay $0x1  }
0xa1: {  	s23 =	simm.s32 $0x1B8B  }
0xa2: {  	_ =	swait.ge [sflag:s23], $0x1  }
0xa3: {  	[sflag:s23] =	ssyncset.done $0x0  }
0xa4: {  	s25 =	simm.s32 $0x1B8E;
	s24 =	sld [smem:$0x3FFE];
	[sflag:s23] =	ssyncadd.s32 $0xFFFFFFFF  }
0xa5: {  	s26 =	simm.s32 $execute0_lowered;
	[smem:$0x3FD2] =	sst s25  }
0xa6: {  	s5 =	sshll.u32 s26, $0x1;
	_ =	strace $0x80000046;
	[dreg:$0x1] =	wrdreg $0xFFFFFFFF  }
0xa7: {  	s28 =	simm.s32 $_size_execute0_lowered;
	s3 =	sadd.s32 s3, s5;
	[dreg:$0x0] =	wrdreg $0x0  }
0xa8: {  	s5 =	sshll.u32 s28, $0x1;
	[dreg:$0x2] =	wrdreg s3  }
0xa9: {  	[dreg:$0x3] =	wrdreg s5  }
0xaa: {  	[dreg:$0x4] =	wrdreg $0xC0  }
0xab: {  	_ =	task [dreg:s7], $0x5FFFF  }
0xac: {  	[dreg:$0x1] =	wrdreg $0xFFFFFFFF  }
0xad: {  	[dreg:$0x0] =	wrdreg $0x60  }
0xae: {  	[dreg:$0x2] =	wrdreg s24  }
0xaf: {  	[dreg:$0x3] =	wrdreg s2  }
0xb0: {  	[dreg:$0x4] =	wrdreg $0x129300  }
0xb1: {  	[dreg:$0x5] =	wrdreg $0x9  }
0xb2: {  	_ =	task.clear_ibuf [dreg:s7], $0x6FFFF;
	_ =	strace $0x90000046  }
0xb3: {  	s29 =	simm.s32 $0x9;
	_ =	strace $0x80000048  }
0xb4: {  	_ =	swait.ge [sflag:s29], $0x1  }
0xb5: {  	[sflag:s29] =	ssyncadd.s32 $0xFFFFFFFF  }
0xb6: {  	_ =	strace $0x90000048  }
0xb7: {  	_ =	sfence  }
0xb8: {  	s30 =	sld [smem:$0x0];
	_ =	sdelay $0x2  }
0xb9: {  	s31 =	sshll.u32 s1, $0xD;
	s1 =	sshrl.u32 s1, $0x2  }
0xba: {  	s3 =	sand.u32 $0x4000, s31;
	s1 =	sadd.s32 s1, s30  }
0xbb: {  	s0 =	sor.u32 s3, s0;
	s1 =	sshll.u32 s1, $0x11  }
0xbc: {  	s0 =	sor.u32 s1, s0  }
0xbd: {  	s0 =	sadd.s32 $0x8F2B, s0  }
0xbe: {  	[sflag:s0] =	ssyncadd.remote.s32 $0x1  }
0xbf: {  	_ =	sfence.sel $0xFFFF  }
0xc0: {  	[dreg:$0x0] =	wrdreg $0xFFFFFFFF;
	(pc) =	sbr.abs _section_cstart, $3  }
0xc1: {  	[dreg:$0x1] =	wrdreg $0xFFFFFFFF  }
0xc2: {  	_ =	task.clear_ibuf [dreg:s7], $0x2FFFF;
	_ =	strace $0x9FFFFFFF  }
0xc3: {  	(tm) =	ssettm $0x7FFFFFFF  }
tec
execute0_lowered:
.L_overlay_start_1:
0x0: {  	(tag) =	ssettag $0x1  }
0x1: {  	s5 =	rddreg [dreg:$0x0]  }
0x2: {  	s7 =	rddreg [dreg:$0x1]  }
0x3: {  	s2 =	rddreg [dreg:$0x2];
	s3 =	srdreg.scid  }
0x4: {  	s1 =	stileid.u32;
	s0 =	rddreg [dreg:$0x3];
	s13 =	simm.s32 $0x4E20  }
0x5: {  	s14 =	simm.s32 $0x8930;
	s15 =	simm.s32 $0x50;
	s16 =	simm.s32 $0x7530  }
0x6: {  	s17 =	simm.s32 $0x1;
	s18 =	simm.s32 $0x0;
	s6 =	sand.u32 $0x1, s3  }
0x7: {  	s8 =	smul.u32 $0xA000, s1;
	s3 =	simm.s32 $0x0;
	s4 =	sshll.u32 s6, $0x4  }
0x8: {  	s9 =	smul.u32 $0xA0000, s6;
	[smem:$0x7FF] =	sst s3;
	s6 =	ssub.s32 $0x2, s6  }
0x9: {  	s4 =	sor.u32 s1, s4;
	_ =	strace $0x80000047;
	s31 =	sshrl.u32 s6, $0x1  }
0xa: {  	s10 =	smul.u32 $0x4E2, s4;
	s9 =	sadd.s32 s8, s9;
	s4 =	sadd.s32 $0x1600, s5  }
0xb: {  	s12 =	ssub.s32 s6, s31;
	s8 =	sadd.s32 s8, s2;
	s9 =	sshrl.u32 s9, $0x3  }
0xc: {  	s11 =	sadd.s32 s10, s5;
	s9 =	sadd.s32 s9, s5;
	s7 =	sadd.s32 s7, s10  }
0xd: {  	s10 =	smax.u32 s12, $0x1;
	s12 =	simm.s32 $0x2710;
	s5 =	sadd.s32 $0x1EE00, s11  }
0xe: {  	v0 =	vimm.f32 $0.0e+00;
	s6 =	sadd.s32 $0x15000, s11;
	s9 =	sadd.s32 $0x28C00, s9;
	s11 =	simm.s32 $0x2  }
.LBB2_1:
0xf: {  	[tilespmem:s3], [sflag:$0x2] =	stream.linear.gather [hbm4b:s5+s3], $0x2710, $0x38;
	[tilespmem:$0x1C930] =	vst v63  }
0x10: {  	_ =	swait.ge [sflag:s11], $0x2710  }
0x11: {  	[sflag:s11] =	ssyncset.done $0x0  }
0x12: {  	[sflag:s11] =	ssyncadd.s32 $0xFFFFD8F0  }
0x13: {  	[tilespmem:s12], [sflag:$0x2] =	stream.linear.gather [hbm4b:s6+s3], $0x2710, $0x38;
	[tilespmem:$0x1C930] =	vst v63  }
0x14: {  	_ =	swait.ge [sflag:s11], $0x2710  }
0x15: {  	[sflag:s11] =	ssyncset.done $0x0  }
0x16: {  	[sflag:s11] =	ssyncadd.s32 $0xFFFFD8F0  }
0x17: {  	[tilespmem:s13], [sflag:$0x2] =	stream.linear.gather [hbm4b:s7+s3], $0x2710, $0x38;
	[tilespmem:$0x1C930] =	vst v63  }
0x18: {  	_ =	swait.ge [sflag:s11], $0x2710  }
0x19: {  	[sflag:s11] =	ssyncset.done $0x0  }
0x1a: {  	s20 =	simm.s32 $0x100;
	s19 =	simm.s32 $0x0;
	[sflag:s11] =	ssyncadd.s32 $0xFFFFD8F0  }
.LBB2_2:
0x1b: {  	p0 =	sne.s32 s20, $0x27F00;
	[tilespmem:s19+$0x8960] =	vst v0;
	s21 =	smov.u32 s20;
	s20 =	sadd.s32 $0x100, s20  }
.Ltmp0:
0x1c: {  	[tilespmem:s19+$0x8950] =	vst v0;
	(pc) =	sbr.rel @p0 .LBB2_2-.Ltmp0, $3  }
0x1d: {  	[tilespmem:s19+$0x8930] =	vst v0  }
0x1e: {  	[tilespmem:s19+$0x8940] =	vst v0;
	_ =	sdelay $0x1  }
0x1f: {  	s19 =	sshra.s32 s21, $0x2  }
0x20: {  	[tilespmem:s19+$0x8960] =	vst v0  }
0x21: {  	[tilespmem:s19+$0x8950] =	vst v0  }
0x22: {  	[tilespmem:s19+$0x8930] =	vst v0  }
0x23: {  	[tilespmem:s19+$0x8940] =	vst v0  }
0x24: {  	[spmem:s8] =	stream.linear.scatter [tilespmem:s14], [sflag:$0x2], $0xA000, $0x38;
	[tilespmem:$0x1C930] =	vst v63  }
0x25: {  	_ =	swait.ge [sflag:s11], $0xA000  }
0x26: {  	[sflag:s11] =	ssyncset.done $0x0  }
0x27: {  	[sflag:s11] =	ssyncadd.s32 $0xFFFF6000  }
0x28: {  	s19 =	simm.s32 $0x0;
	[bflag:$0x0] =	sbarrier.arrive $0xFFFF  }
.LBB2_4:
0x29: {  	s20 =	smul.u32 $0x50, s19;
	_ =	sdelay $0x1  }
0x2a: {  	s21 =	sadd.s32 $0x2710, s20;
	s31 =	sadd.s32 $0x0, s20  }
0x2b: {  	[tilespmem:s16], [sflag:$0x1] =	stream.indirect.gather [hbm4b:s4+s15], $0x40, s21, s15, $0xb8;
	[tilespmem:$0x1C930] =	vst v63  }
0x2c: {  	v1 =	vmov s31;
	_ =	swait.ge [sflag:s17], $0x1400  }
0x2d: {  	[sflag:s17] =	ssyncset.done $0x0  }
0x2e: {  	s21 =	simm.s32 $0x7550;
	[sflag:s17] =	ssyncadd.s32 $0xFFFFEC00  }
0x2f: {  	v3 =	vld [tilespmem:s21+$0xFFFFFFF0]  }
0x30: {  	v4 =	vld [tilespmem:s21+$0x10]  }
0x31: {  	v6 =	vld.idx.msk [tilespmem:v1+s13+$0x0], $0xffff  }
0x32: {  	v1 =	vld [tilespmem:s21+$0xFFFFFFE0]  }
0x33: {  	v7 =	vld [tilespmem:s21+$0x0];
	_ =	sdelay $0x3  }
0x34: {  	s23 =	sadd.s32 $0x1, s20;
	v2 =	vmul.f32 v1, v6;
	v5 =	vmul.f32 v4, v6  }
0x35: {  	s22 =	simm.s32 $0x2;
	v1 =	vmov s23;
	v4 =	vmul.f32 v3, v6;
	v3 =	vmul.f32 v7, v6;
	s23 =	simm.s32 $0x7550  }
.LBB2_5:
0x36: {  	p0 =	sne.s32 s22, $0x4F  }
0x37: {  	[tilespmem:s21+$0x10] =	vst v5;
	s23 =	sadd.s32 $0x40, s23;
	s24 =	smov.u32 s22;
	s22 =	sadd.s32 $0x1, s22  }
0x38: {  	[tilespmem:s21+$0xFFFFFFE0] =	vst v2  }
0x39: {  	v6 =	vld [tilespmem:s23+$0xFFFFFFF0];
	[tilespmem:s21+$0xFFFFFFF0] =	vst v4  }
0x3a: {  	v4 =	vld [tilespmem:s23+$0x10];
	[tilespmem:s21+$0x0] =	vst v3;
	s21 =	smov.u32 s23  }
0x3b: {  	v3 =	vld.idx.msk [tilespmem:v1+s13+$0x0], $0xffff  }
0x3c: {  	v1 =	vld [tilespmem:s23+$0xFFFFFFE0]  }
0x3d: {  	v7 =	vld [tilespmem:s23+$0x0]  }
.Ltmp1:
0x3e: {  	(pc) =	sbr.rel @p0 .LBB2_5-.Ltmp1, $3  }
0x3f: {  	_ =	sdelay $0x1  }
0x40: {  	s24 =	sadd.s32 s20, s24;
	v5 =	vmul.f32 v4, v3;
	v2 =	vmul.f32 v1, v3  }
0x41: {  	v4 =	vmul.f32 v6, v3;
	v1 =	vmov s24;
	v3 =	vmul.f32 v7, v3  }
0x42: {  	[tilespmem:s21+$0x10] =	vst v5  }
0x43: {  	s22 =	sadd.s32 $0x40, s23;
	[tilespmem:s21+$0xFFFFFFE0] =	vst v2  }
0x44: {  	v2 =	vld [tilespmem:s22+$0xFFFFFFF0];
	[tilespmem:s21+$0xFFFFFFF0] =	vst v4  }
0x45: {  	v4 =	vld [tilespmem:s22+$0x10];
	[tilespmem:s21+$0x0] =	vst v3  }
0x46: {  	v1 =	vld.idx.msk [tilespmem:v1+s13+$0x0], $0xffff  }
0x47: {  	v3 =	vld [tilespmem:s22+$0xFFFFFFE0];
	_ =	sdelay $0x1  }
0x48: {  	v5 =	vld [tilespmem:s22+$0x0];
	_ =	sdelay $0x1  }
0x49: {  	v4 =	vmul.f32 v4, v1  }
0x4a: {  	v3 =	vmul.f32 v3, v1  }
0x4b: {  	v2 =	vmul.f32 v2, v1;
	[tilespmem:s22+$0x10] =	vst v4  }
0x4c: {  	s19 =	sadd.s32 $0x1, s19;
	v1 =	vmul.f32 v5, v1;
	[tilespmem:s22+$0xFFFFFFE0] =	vst v3  }
0x4d: {  	p0 =	sne.s32 s19, $0x7D;
	[tilespmem:s22+$0xFFFFFFF0] =	vst v2  }
.Ltmp2:
0x4e: {  	[tilespmem:s22+$0x0] =	vst v1;
	(pc) =	sbr.rel @p0 .LBB2_4-.Ltmp2, $4  }
0x4f: {  	[spmem:s2] =	stream.indirect.scatter.add.f32 [tilespmem:s16], [sflag:$0x2], $0x40, s20, s15, $0xb8;
	[tilespmem:$0x1C930] =	vst v63  }
0x50: {  	_ =	swait.ge [sflag:s11], $0x1400  }
0x51: {  	[sflag:s11] =	ssyncset.done $0x0  }
0x52: {  	[sflag:s11] =	ssyncadd.s32 $0xFFFFEC00  }
0x53: {  	[bflag:$0x0] =	sbarrier.arrive $0xFFFF  }
0x54: {  	[tilespmem:s14], [sflag:$0x2] =	stream.linear.gather [spmem:s8], $0xA000, $0x38;
	[tilespmem:$0x1C930] =	vst v63  }
0x55: {  	s18 =	sadd.s32 $0x1, s18;
	_ =	swait.ge [sflag:s11], $0xA000  }
0x56: {  	p0 =	sne.s32 s18, s10;
	[sflag:s11] =	ssyncset.done $0x0  }
.Ltmp3:
0x57: {  	[sflag:s11] =	ssyncadd.s32 $0xFFFF6000;
	(pc) =	sbr.rel @p0 .LBB2_1-.Ltmp3, $4  }
0x58: {  	[hbm4b:s9+s3] =	stream.linear.scatter [tilespmem:s14], [sflag:$0x2], $0xA000, $0x38;
	[tilespmem:$0x1C930] =	vst v63  }
0x59: {  	_ =	swait.ge [sflag:s11], $0xA000  }
0x5a: {  	[sflag:s11] =	ssyncset.done $0x0  }
0x5b: {  	[sflag:s11] =	ssyncadd.s32 $0xFFFF6000  }
0x5c: {  	_ =	sfence.sel $0x180000  }
0x5d: {  	[bflag:$0x0] =	sbarrier.arrive $0xFFFF  }
0x5e: {  	p0 =	sne.s32 s1, $0x0;
	_ =	strace $0x90000047  }
0x5f: {  	s0 =	sadd.s32 @!p0 $0x100000, s0;
	[bflag:$0x2] =	sbarrier.arrive $0xFFFF  }
0x60: {  	[sflag:s0] =	ssyncadd.tile.s32 @!p0 $0x1;
	_ =	shalt  }
.Lfunc_end2:
_tile_overlayer_lowered:
.L_overlay_start_2:
0x61: {  	(tag) =	ssettag $0x2  }
0x62: {  	s0 =	rddreg [dreg:$0x0];
	s2 =	stileid.u32  }
0x63: {  	s1 =	rddreg [dreg:$0x1];
	p0 =	sne.s32 s2, $0x0  }
0x64: {  	s3 =	rddreg [dreg:$0x2];
	[bflag:$0x3] =	sbarrier.arrive $0xFFFF;
	s2 =	simm.s32 @!p0 $0x1C02  }
0x65: {  	[timem:s3], [sflag:s2] =	dma.local @!p0 [hbm:s0], s1  }
0x66: {  	s0 =	simm.s32 @!p0 $0x2  }
0x67: {  	_ =	swait.ge @!p0 [sflag:s0], s1  }
0x68: {  	s1 =	ssub.s32 @!p0 $0x0, s1;
	[sflag:s0] =	ssyncset.done @!p0 $0x0  }
0x69: {  	[sflag:s0] =	ssyncadd.s32 @!p0 s1  }
0x6a: {  	[bflag:$0x3] =	sbarrier.arrive $0xFFFF  }
0x6b: {  	_ =	shalt  }

</sc_bundles>
